<compile_context>
chip_gen: v7x
topology: tpu7x:2x2x1
jax: 0.10.2.dev20260603
libtpu: 0.0.44.dev20260713+nightly
codegen_flags: <defaults>
</compile_context>

<pallas_src>
import functools

import jax
import jax.numpy as jnp
import numpy as np
from jax import lax
from jax.experimental import pallas as pl
from jax.experimental.pallas import tpu as pltpu
from jax.experimental.pallas import tpu_sc as plsc

_SPOOKY = np.array([[1,1,0,0,0,0,0,0,0,0,0,0,0,0,0,0,1,0,0,0],[2,2,0,0,0,0,0,0,0,0,0,0,0,0,0,0,2,0,0,0],[3,2,1,0,0,0,0,0,0,0,0,0,0,0,0,0,1,0,0,0],[4,2,2,0,0,0,0,0,0,0,0,0,0,0,0,0,2,0,0,0],[5,2,2,1,0,0,0,0,0,0,0,0,0,0,0,0,2,1,0,0],[6,2,2,2,0,0,0,0,0,0,0,0,0,0,0,0,2,2,0,0],[7,2,2,3,0,0,0,0,0,0,0,0,0,0,0,0,2,3,0,0],[8,2,2,4,0,0,0,0,0,0,0,0,0,0,0,0,2,4,0,0],[9,2,2,5,0,0,0,0,0,0,0,0,0,0,0,0,2,5,0,0],[10,2,2,6,0,0,0,0,0,0,0,0,0,0,0,0,2,6,0,0],[11,2,2,6,1,0,0,0,0,0,0,0,0,0,0,0,1,0,0,0],[12,2,2,6,2,0,0,0,0,0,0,0,0,0,0,0,2,0,0,0],[13,2,2,6,2,1,0,0,0,0,0,0,0,0,0,0,2,1,0,0],[14,2,2,6,2,2,0,0,0,0,0,0,0,0,0,0,2,2,0,0],[15,2,2,6,2,3,0,0,0,0,0,0,0,0,0,0,2,3,0,0],[16,2,2,6,2,4,0,0,0,0,0,0,0,0,0,0,2,4,0,0],[17,2,2,6,2,5,0,0,0,0,0,0,0,0,0,0,2,5,0,0],[18,2,2,6,2,6,0,0,0,0,0,0,0,0,0,0,2,6,0,0],[19,2,2,6,2,6,1,0,0,0,0,0,0,0,0,0,1,0,0,0],[20,2,2,6,2,6,2,0,0,0,0,0,0,0,0,0,2,0,0,0],[21,2,2,6,2,6,2,1,0,0,0,0,0,0,0,0,2,0,1,0],[22,2,2,6,2,6,2,2,0,0,0,0,0,0,0,0,2,0,2,0],[23,2,2,6,2,6,2,3,0,0,0,0,0,0,0,0,2,0,3,0],[24,2,2,6,2,6,1,5,0,0,0,0,0,0,0,0,1,0,5,0],[25,2,2,6,2,6,2,5,0,0,0,0,0,0,0,0,2,0,5,0],[26,2,2,6,2,6,2,6,0,0,0,0,0,0,0,0,2,0,6,0],[27,2,2,6,2,6,2,7,0,0,0,0,0,0,0,0,2,0,7,0],[28,2,2,6,2,6,2,8,0,0,0,0,0,0,0,0,2,0,8,0],[29,2,2,6,2,6,1,10,0,0,0,0,0,0,0,0,1,0,10,0],[30,2,2,6,2,6,2,10,0,0,0,0,0,0,0,0,2,0,10,0],[31,2,2,6,2,6,2,10,1,0,0,0,0,0,0,0,2,1,10,0],[32,2,2,6,2,6,2,10,2,0,0,0,0,0,0,0,2,2,10,0],[33,2,2,6,2,6,2,10,3,0,0,0,0,0,0,0,2,3,10,0],[34,2,2,6,2,6,2,10,4,0,0,0,0,0,0,0,2,4,10,0],[35,2,2,6,2,6,2,10,5,0,0,0,0,0,0,0,2,5,10,0],[36,2,2,6,2,6,2,10,6,0,0,0,0,0,0,0,2,6,10,0],[37,2,2,6,2,6,2,10,6,1,0,0,0,0,0,0,1,6,10,0],[38,2,2,6,2,6,2,10,6,2,0,0,0,0,0,0,2,6,10,0],[39,2,2,6,2,6,2,10,6,2,1,0,0,0,0,0,2,6,1,0],[40,2,2,6,2,6,2,10,6,2,2,0,0,0,0,0,2,6,2,0],[41,2,2,6,2,6,2,10,6,1,4,0,0,0,0,0,1,6,4,0],[42,2,2,6,2,6,2,10,6,1,5,0,0,0,0,0,1,6,5,0],[43,2,2,6,2,6,2,10,6,2,5,0,0,0,0,0,2,6,5,0],[44,2,2,6,2,6,2,10,6,1,7,0,0,0,0,0,1,6,7,0],[45,2,2,6,2,6,2,10,6,1,8,0,0,0,0,0,1,6,8,0],[46,2,2,6,2,6,2,10,6,0,10,0,0,0,0,0,0,6,10,0],[47,2,2,6,2,6,2,10,6,1,10,0,0,0,0,0,1,6,10,0],[48,2,2,6,2,6,2,10,6,2,10,0,0,0,0,0,2,6,10,0],[49,2,2,6,2,6,2,10,6,2,10,1,0,0,0,0,2,1,10,0],[50,2,2,6,2,6,2,10,6,2,10,2,0,0,0,0,2,2,10,0],[51,2,2,6,2,6,2,10,6,2,10,3,0,0,0,0,2,3,10,0],[52,2,2,6,2,6,2,10,6,2,10,4,0,0,0,0,2,4,10,0],[53,2,2,6,2,6,2,10,6,2,10,5,0,0,0,0,2,5,10,0],[54,2,2,6,2,6,2,10,6,2,10,6,0,0,0,0,2,6,10,0],[55,2,2,6,2,6,2,10,6,2,10,6,1,0,0,0,1,6,10,0],[56,2,2,6,2,6,2,10,6,2,10,6,2,0,0,0,2,6,10,0],[86,2,2,6,2,6,2,10,6,2,10,6,2,14,10,6,2,6,10,14]], dtype=np.float32)

_DNORM = (_SPOOKY[:56] / _SPOOKY[56]).astype(np.float32)

_NODE_DIM = 128
_MAX_Z = 56

_NC = 2
_NS = 16
_NW = _NC * _NS
_CHUNK = 128
_NCHUNK = 25
_BPW = _CHUNK * _NCHUNK
_N_NODES = 100000
_TAIL_FULL = 6
_TAIL_ROWS = 32


def _table_body(dnorm_ref, mt_ref, embed_ref, out_ref):
    out_ref[...] = (
        jnp.dot(dnorm_ref[...], mt_ref[...], preferred_element_type=jnp.float32)
        + embed_ref[...]
    )


def _fused_table(embed_weight, M):
    dnorm = jnp.asarray(_DNORM)
    return pl.pallas_call(
        _table_body,
        out_shape=jax.ShapeDtypeStruct((_MAX_Z, _NODE_DIM), jnp.float32),
    )(dnorm, M.T, embed_weight)


_MESH = plsc.VectorSubcoreMesh(core_axis_name="c", subcore_axis_name="s")


@functools.partial(
    pl.kernel,
    out_type=jax.ShapeDtypeStruct((_N_NODES, _NODE_DIM), jnp.float32),
    mesh=_MESH,
    scratch_types=[
        pltpu.VMEM((_BPW,), jnp.int32),
        pltpu.VMEM_SHARED((_MAX_Z, _NODE_DIM), jnp.float32),
        pltpu.VMEM((_CHUNK, _NODE_DIM), jnp.float32),
        pltpu.VMEM((_CHUNK, _NODE_DIM), jnp.float32),
        pltpu.SemaphoreType.DMA,
        pltpu.SemaphoreType.DMA,
        pltpu.SemaphoreType.DMA,
        pltpu.SemaphoreType.DMA,
    ],
)
def _sc_gather(tab_hbm, z_hbm, out_hbm, idx_v, tab_v, rows0, rows1,
               g0, g1, o0, o1):
    wid = lax.axis_index("s") * _NC + lax.axis_index("c")
    base = wid * _BPW
    @pl.when(lax.axis_index("s") == 0)
    def _():
        pltpu.sync_copy(tab_hbm, tab_v)

    bufs = (rows0, rows1)
    gsems = (g0, g1)
    osems = (o0, o1)

    def pipeline(n_chunks, tail_rows):
        n_stage = n_chunks * _CHUNK + tail_rows
        pltpu.sync_copy(z_hbm.at[pl.ds(base, n_stage)],
                        idx_v.at[pl.ds(0, n_stage)])
        plsc.subcore_barrier()
        gc = [None, None]
        oc = [None, None]
        sizes = [_CHUNK] * n_chunks + ([tail_rows] if tail_rows else [])
        for i, rows in enumerate(sizes):
            b = i & 1
            if oc[b] is not None:
                oc[b].wait()
            gc[b] = pltpu.async_copy(
                tab_v.at[idx_v.at[pl.ds(i * _CHUNK, rows)]],
                bufs[b].at[pl.ds(0, rows)], gsems[b])
            if i >= 1:
                pb = (i - 1) & 1
                gc[pb].wait()
                pr = sizes[i - 1]
                oc[pb] = pltpu.async_copy(
                    bufs[pb].at[pl.ds(0, pr)],
                    out_hbm.at[pl.ds(base + (i - 1) * _CHUNK, pr)], osems[pb])
        i = len(sizes) - 1
        b = i & 1
        gc[b].wait()
        oc[b] = pltpu.async_copy(
            bufs[b].at[pl.ds(0, sizes[i])],
            out_hbm.at[pl.ds(base + i * _CHUNK, sizes[i])], osems[b])
        if oc[1 - b] is not None:
            oc[1 - b].wait()
        oc[b].wait()

    @pl.when(wid < _NW - 1)
    def _():
        pipeline(_NCHUNK, 0)

    @pl.when(wid == _NW - 1)
    def _():
        pipeline(_TAIL_FULL, _TAIL_ROWS)


def kernel(z, embed_weight, M):
    table = _fused_table(embed_weight, M)
    return _sc_gather(table, z.astype(jnp.int32))

# --- scband reference (transcript-rebuilt; emitter-appended) ---
"""Pipeline reference for scband-atomic-dict2-node-55327768707145 (READ-ONLY COPY).

The authoritative reference and input builder live on the scoring server;
editing this copy changes nothing except your own understanding.
"""

import jax, jax.numpy as jnp
import numpy as np
import math

SPOOKYNET_DICT = np.array([[1,1,0,0,0,0,0,0,0,0,0,0,0,0,0,0,1,0,0,0],[2,2,0,0,0,0,0,0,0,0,0,0,0,0,0,0,2,0,0,0],[3,2,1,0,0,0,0,0,0,0,0,0,0,0,0,0,1,0,0,0],[4,2,2,0,0,0,0,0,0,0,0,0,0,0,0,0,2,0,0,0],[5,2,2,1,0,0,0,0,0,0,0,0,0,0,0,0,2,1,0,0],[6,2,2,2,0,0,0,0,0,0,0,0,0,0,0,0,2,2,0,0],[7,2,2,3,0,0,0,0,0,0,0,0,0,0,0,0,2,3,0,0],[8,2,2,4,0,0,0,0,0,0,0,0,0,0,0,0,2,4,0,0],[9,2,2,5,0,0,0,0,0,0,0,0,0,0,0,0,2,5,0,0],[10,2,2,6,0,0,0,0,0,0,0,0,0,0,0,0,2,6,0,0],[11,2,2,6,1,0,0,0,0,0,0,0,0,0,0,0,1,0,0,0],[12,2,2,6,2,0,0,0,0,0,0,0,0,0,0,0,2,0,0,0],[13,2,2,6,2,1,0,0,0,0,0,0,0,0,0,0,2,1,0,0],[14,2,2,6,2,2,0,0,0,0,0,0,0,0,0,0,2,2,0,0],[15,2,2,6,2,3,0,0,0,0,0,0,0,0,0,0,2,3,0,0],[16,2,2,6,2,4,0,0,0,0,0,0,0,0,0,0,2,4,0,0],[17,2,2,6,2,5,0,0,0,0,0,0,0,0,0,0,2,5,0,0],[18,2,2,6,2,6,0,0,0,0,0,0,0,0,0,0,2,6,0,0],[19,2,2,6,2,6,1,0,0,0,0,0,0,0,0,0,1,0,0,0],[20,2,2,6,2,6,2,0,0,0,0,0,0,0,0,0,2,0,0,0],[21,2,2,6,2,6,2,1,0,0,0,0,0,0,0,0,2,0,1,0],[22,2,2,6,2,6,2,2,0,0,0,0,0,0,0,0,2,0,2,0],[23,2,2,6,2,6,2,3,0,0,0,0,0,0,0,0,2,0,3,0],[24,2,2,6,2,6,1,5,0,0,0,0,0,0,0,0,1,0,5,0],[25,2,2,6,2,6,2,5,0,0,0,0,0,0,0,0,2,0,5,0],[26,2,2,6,2,6,2,6,0,0,0,0,0,0,0,0,2,0,6,0],[27,2,2,6,2,6,2,7,0,0,0,0,0,0,0,0,2,0,7,0],[28,2,2,6,2,6,2,8,0,0,0,0,0,0,0,0,2,0,8,0],[29,2,2,6,2,6,1,10,0,0,0,0,0,0,0,0,1,0,10,0],[30,2,2,6,2,6,2,10,0,0,0,0,0,0,0,0,2,0,10,0],[31,2,2,6,2,6,2,10,1,0,0,0,0,0,0,0,2,1,10,0],[32,2,2,6,2,6,2,10,2,0,0,0,0,0,0,0,2,2,10,0],[33,2,2,6,2,6,2,10,3,0,0,0,0,0,0,0,2,3,10,0],[34,2,2,6,2,6,2,10,4,0,0,0,0,0,0,0,2,4,10,0],[35,2,2,6,2,6,2,10,5,0,0,0,0,0,0,0,2,5,10,0],[36,2,2,6,2,6,2,10,6,0,0,0,0,0,0,0,2,6,10,0],[37,2,2,6,2,6,2,10,6,1,0,0,0,0,0,0,1,6,10,0],[38,2,2,6,2,6,2,10,6,2,0,0,0,0,0,0,2,6,10,0],[39,2,2,6,2,6,2,10,6,2,1,0,0,0,0,0,2,6,1,0],[40,2,2,6,2,6,2,10,6,2,2,0,0,0,0,0,2,6,2,0],[41,2,2,6,2,6,2,10,6,1,4,0,0,0,0,0,1,6,4,0],[42,2,2,6,2,6,2,10,6,1,5,0,0,0,0,0,1,6,5,0],[43,2,2,6,2,6,2,10,6,2,5,0,0,0,0,0,2,6,5,0],[44,2,2,6,2,6,2,10,6,1,7,0,0,0,0,0,1,6,7,0],[45,2,2,6,2,6,2,10,6,1,8,0,0,0,0,0,1,6,8,0],[46,2,2,6,2,6,2,10,6,0,10,0,0,0,0,0,0,6,10,0],[47,2,2,6,2,6,2,10,6,1,10,0,0,0,0,0,1,6,10,0],[48,2,2,6,2,6,2,10,6,2,10,0,0,0,0,0,2,6,10,0],[49,2,2,6,2,6,2,10,6,2,10,1,0,0,0,0,2,1,10,0],[50,2,2,6,2,6,2,10,6,2,10,2,0,0,0,0,2,2,10,0],[51,2,2,6,2,6,2,10,6,2,10,3,0,0,0,0,2,3,10,0],[52,2,2,6,2,6,2,10,6,2,10,4,0,0,0,0,2,4,10,0],[53,2,2,6,2,6,2,10,6,2,10,5,0,0,0,0,2,5,10,0],[54,2,2,6,2,6,2,10,6,2,10,6,0,0,0,0,2,6,10,0],[55,2,2,6,2,6,2,10,6,2,10,6,1,0,0,0,1,6,10,0],[56,2,2,6,2,6,2,10,6,2,10,6,2,0,0,0,2,6,10,0],[86,2,2,6,2,6,2,10,6,2,10,6,2,14,10,6,2,6,10,14]], dtype=np.float32)

NODE_DIM = 128
MAX_Z = 56
N_NODES = 100000

def setup_inputs(seed: int = 0) -> dict:
    key = jax.random.key(seed)
    k1, k2, k3 = jax.random.split(key, 3)
    z = jax.random.randint(k1, (N_NODES,), 0, MAX_Z)
    # nn.Embedding weight init: uniform(-sqrt(3), sqrt(3))
    embed_weight = jax.random.uniform(k2, (MAX_Z, NODE_DIM), minval=-math.sqrt(3.0), maxval=math.sqrt(3.0), dtype=jnp.float32)
    # glorot_orthogonal(scale=2.0): orthonormal columns rescaled so var = scale/(fan_in+fan_out)
    W = jax.random.normal(k3, (NODE_DIM, 20), dtype=jnp.float32)
    Q, _ = jnp.linalg.qr(W)
    M = Q * jnp.sqrt(2.0 / ((NODE_DIM + 20) * jnp.var(Q)))
    return {"z": z, "embed_weight": embed_weight, "M": M}

def reference(z, embed_weight, M):
    D = jnp.asarray(SPOOKYNET_DICT)
    # gather electron-configuration descriptor rows and normalize by last row
    norm = jnp.take(D, z, axis=0) / D[-1]
    # einsum('fd,bd->bf', M, norm) projects the 20-dim descriptor to node_dim
    out = jnp.einsum('fd,bd->bf', M, norm) + jnp.take(embed_weight, z, axis=0)
    return out

if __name__ == "__main__":
    import jax
    _d = setup_inputs()
    print(jax.jit(kernel)(*tuple(_d.values())))

</pallas_src>

<mosaic_0001>
#map = affine_map<(d0, d1) -> (0, 0)>
#map1 = affine_map<(d0, d1) -> (0)>
module attributes {stable_mosaic.version = 14 : i64} {
  func.func @_sc_gather(%arg0: i32, %arg1: i32, %arg2: memref<56x128xf32, #tpu.memory_space<hbm>>, %arg3: memref<100000xi32, #tpu.memory_space<hbm>>, %arg4: memref<100000x128xf32, #tpu.memory_space<hbm>>, %arg5: memref<3200xi32, #tpu.memory_space<vmem>>, %arg6: memref<56x128xf32, #tpu.memory_space<vmem_shared>>, %arg7: memref<128x128xf32, #tpu.memory_space<vmem>>, %arg8: memref<128x128xf32, #tpu.memory_space<vmem>>, %arg9: memref<!tpu.dma_semaphore, #tpu.memory_space<semaphore_mem>>, %arg10: memref<!tpu.dma_semaphore, #tpu.memory_space<semaphore_mem>>, %arg11: memref<!tpu.dma_semaphore, #tpu.memory_space<semaphore_mem>>, %arg12: memref<!tpu.dma_semaphore, #tpu.memory_space<semaphore_mem>>) attributes {dimension_semantics = [#tpu.dimension_semantics<core_parallel>, #tpu.dimension_semantics<subcore_parallel>], iteration_bounds = array<i64: 2, 16>, scalar_prefetch = 0 : i64, scratch_operands = 8 : i64, tpu.core_type = #tpu.core_type<sc_vector_subcore>, window_params = [{transform_indices = #map}, {transform_indices = #map1}, {transform_indices = #map}]} {
    %mul3A = arith.constant 2 : i32
    %mul3A_0 = arith.muli %arg1, %mul3A : i32
    %add3A = arith.addi %mul3A_0, %arg0 : i32
    %mul3A_1 = arith.constant 3200 : i32
    %mul3A_2 = arith.muli %add3A, %mul3A_1 : i32
    %eq3A = arith.constant 0 : i32
    %eq3A_3 = arith.cmpi eq, %arg1, %eq3A : i32
    %convert_element_type3A = arith.extui %eq3A_3 : i1 to i32
    %cond3A = arith.constant 0 : i32
    %cond3A_4 = arith.cmpi ne, %convert_element_type3A, %cond3A : i32
    scf.if %cond3A_4 {
      "tpu.region"() ({
        %run_scoped3A = tpu.sem_alloc : memref<!tpu.dma_semaphore, #tpu.memory_space<semaphore_mem>>
        tpu.enqueue_dma source(%arg2 : memref<56x128xf32, #tpu.memory_space<hbm>>) target(%arg6 : memref<56x128xf32, #tpu.memory_space<vmem_shared>>) target_semaphore(%run_scoped3A : memref<!tpu.dma_semaphore, #tpu.memory_space<semaphore_mem>>)
        tpu.wait_dma2 semaphore(%run_scoped3A : memref<!tpu.dma_semaphore, #tpu.memory_space<semaphore_mem>>) src(%arg2 : memref<56x128xf32, #tpu.memory_space<hbm>>) dst(%arg6 : memref<56x128xf32, #tpu.memory_space<vmem_shared>>)
        tpu.yield
      }) : () -> ()
    } else {
    }
    %lt3A = arith.constant 31 : i32
    %lt3A_5 = arith.cmpi slt, %add3A, %lt3A : i32
    %convert_element_type3A_6 = arith.extui %lt3A_5 : i1 to i32
    %cond3A_7 = arith.constant 0 : i32
    %cond3A_8 = arith.cmpi ne, %convert_element_type3A_6, %cond3A_7 : i32
    scf.if %cond3A_8 {
      "tpu.region"() ({
        %run_scoped3A = tpu.sem_alloc : memref<!tpu.dma_semaphore, #tpu.memory_space<semaphore_mem>>
        %dma_start3A_962 = arith.constant 0 : i32
        %dma_start3A_963 = tpu.memref_slice %arg5[%dma_start3A_962] : memref<3200xi32, #tpu.memory_space<vmem>> -> memref<3200xi32, #tpu.memory_space<vmem>>
        %dma_start3A_964 = tpu.memref_slice %arg3[%mul3A_2] : memref<100000xi32, #tpu.memory_space<hbm>> -> memref<3200xi32, #tpu.memory_space<hbm>>
        %dma_start3A_965 = arith.constant 0 : i32
        %dma_start3A_966 = tpu.memref_slice %arg5[%dma_start3A_965] : memref<3200xi32, #tpu.memory_space<vmem>> -> memref<3200xi32, #tpu.memory_space<vmem>>
        %dma_start3A_967 = tpu.memref_slice %arg3[%mul3A_2] : memref<100000xi32, #tpu.memory_space<hbm>> -> memref<3200xi32, #tpu.memory_space<hbm>>
        tpu.enqueue_dma source(%dma_start3A_967 : memref<3200xi32, #tpu.memory_space<hbm>>) target(%dma_start3A_966 : memref<3200xi32, #tpu.memory_space<vmem>>) target_semaphore(%run_scoped3A : memref<!tpu.dma_semaphore, #tpu.memory_space<semaphore_mem>>)
        %dma_wait3A_968 = arith.constant 0 : i32
        %dma_wait3A_969 = tpu.memref_slice %arg5[%dma_wait3A_968] : memref<3200xi32, #tpu.memory_space<vmem>> -> memref<3200xi32, #tpu.memory_space<vmem>>
        %dma_wait3A_970 = tpu.memref_slice %arg3[%mul3A_2] : memref<100000xi32, #tpu.memory_space<hbm>> -> memref<3200xi32, #tpu.memory_space<hbm>>
        %dma_wait3A_971 = arith.constant 0 : i32
        %dma_wait3A_972 = tpu.memref_slice %arg5[%dma_wait3A_971] : memref<3200xi32, #tpu.memory_space<vmem>> -> memref<3200xi32, #tpu.memory_space<vmem>>
        %dma_wait3A_973 = tpu.memref_slice %arg3[%mul3A_2] : memref<100000xi32, #tpu.memory_space<hbm>> -> memref<3200xi32, #tpu.memory_space<hbm>>
        tpu.wait_dma2 semaphore(%run_scoped3A : memref<!tpu.dma_semaphore, #tpu.memory_space<semaphore_mem>>) src(%dma_wait3A_973 : memref<3200xi32, #tpu.memory_space<hbm>>) dst(%dma_wait3A_972 : memref<3200xi32, #tpu.memory_space<vmem>>)
        tpu.yield
      }) : () -> ()
      %barrier3A = arith.constant 0 : index
      tpu.barrier barrier_id(%barrier3A)
      %dma_start3A = arith.constant 0 : i32
      %dma_start3A_14 = arith.constant 0 : i32
      %dma_start3A_15 = tpu.memref_slice %arg7[%dma_start3A, %dma_start3A_14] : memref<128x128xf32, #tpu.memory_space<vmem>> -> memref<128x128xf32, #tpu.memory_space<vmem>>
      %dma_start3A_16 = arith.constant 0 : i32
      %dma_start3A_17 = tpu.memref_slice %arg5[%dma_start3A_16] : memref<3200xi32, #tpu.memory_space<vmem>> -> memref<128xi32, #tpu.memory_space<vmem>>
      %dma_start3A_18 = arith.constant 0 : i32
      %dma_start3A_19 = arith.constant 0 : i32
      %dma_start3A_20 = tpu.memref_slice %arg6[%dma_start3A_18, %dma_start3A_19] : memref<56x128xf32, #tpu.memory_space<vmem_shared>> -> memref<56x128xf32, #tpu.memory_space<vmem_shared>>
      tpu.enqueue_indirect_dma source(%dma_start3A_20 : memref<56x128xf32, #tpu.memory_space<vmem_shared>>) target(%dma_start3A_15 : memref<128x128xf32, #tpu.memory_space<vmem>>) offsets(%dma_start3A_17 : memref<128xi32, #tpu.memory_space<vmem>>) semaphore(%arg9 : memref<!tpu.dma_semaphore, #tpu.memory_space<semaphore_mem>>)
      %dma_start3A_21 = arith.constant 0 : i32
      %dma_start3A_22 = arith.constant 0 : i32
      %dma_start3A_23 = tpu.memref_slice %arg8[%dma_start3A_21, %dma_start3A_22] : memref<128x128xf32, #tpu.memory_space<vmem>> -> memref<128x128xf32, #tpu.memory_space<vmem>>
      %dma_start3A_24 = arith.constant 128 : i32
      %dma_start3A_25 = tpu.memref_slice %arg5[%dma_start3A_24] : memref<3200xi32, #tpu.memory_space<vmem>> -> memref<128xi32, #tpu.memory_space<vmem>>
      %dma_start3A_26 = arith.constant 0 : i32
      %dma_start3A_27 = arith.constant 0 : i32
      %dma_start3A_28 = tpu.memref_slice %arg6[%dma_start3A_26, %dma_start3A_27] : memref<56x128xf32, #tpu.memory_space<vmem_shared>> -> memref<56x128xf32, #tpu.memory_space<vmem_shared>>
      tpu.enqueue_indirect_dma source(%dma_start3A_28 : memref<56x128xf32, #tpu.memory_space<vmem_shared>>) target(%dma_start3A_23 : memref<128x128xf32, #tpu.memory_space<vmem>>) offsets(%dma_start3A_25 : memref<128xi32, #tpu.memory_space<vmem>>) semaphore(%arg10 : memref<!tpu.dma_semaphore, #tpu.memory_space<semaphore_mem>>)
      %dma_wait3A = arith.constant 0 : i32
      %dma_wait3A_29 = arith.constant 0 : i32
      %dma_wait3A_30 = tpu.memref_slice %arg7[%dma_wait3A, %dma_wait3A_29] : memref<128x128xf32, #tpu.memory_space<vmem>> -> memref<128x128xf32, #tpu.memory_space<vmem>>
      %dma_wait3A_31 = arith.constant 0 : i32
      %dma_wait3A_32 = tpu.memref_slice %arg5[%dma_wait3A_31] : memref<3200xi32, #tpu.memory_space<vmem>> -> memref<128xi32, #tpu.memory_space<vmem>>
      %dma_wait3A_33 = arith.constant 0 : i32
      %dma_wait3A_34 = arith.constant 0 : i32
      %dma_wait3A_35 = tpu.memref_slice %arg6[%dma_wait3A_33, %dma_wait3A_34] : memref<56x128xf32, #tpu.memory_space<vmem_shared>> -> memref<56x128xf32, #tpu.memory_space<vmem_shared>>
      tpu.wait_indirect_dma semaphore(%arg9 : memref<!tpu.dma_semaphore, #tpu.memory_space<semaphore_mem>>) src(%dma_wait3A_35 : memref<56x128xf32, #tpu.memory_space<vmem_shared>>) dst(%dma_wait3A_30 : memref<128x128xf32, #tpu.memory_space<vmem>>)
      %add3A_36 = arith.constant 0 : i32
      %add3A_37 = arith.addi %mul3A_2, %add3A_36 : i32
      %dma_start3A_38 = arith.constant 0 : i32
      %dma_start3A_39 = arith.constant 0 : i32
      %dma_start3A_40 = tpu.memref_slice %arg7[%dma_start3A_38, %dma_start3A_39] : memref<128x128xf32, #tpu.memory_space<vmem>> -> memref<128x128xf32, #tpu.memory_space<vmem>>
      %dma_start3A_41 = arith.constant 0 : i32
      %dma_start3A_42 = tpu.memref_slice %arg4[%add3A_37, %dma_start3A_41] : memref<100000x128xf32, #tpu.memory_space<hbm>> -> memref<128x128xf32, #tpu.memory_space<hbm>>
      %dma_start3A_43 = arith.constant 0 : i32
      %dma_start3A_44 = tpu.memref_slice %arg4[%add3A_37, %dma_start3A_43] : memref<100000x128xf32, #tpu.memory_space<hbm>> -> memref<128x128xf32, #tpu.memory_space<hbm>>
      %dma_start3A_45 = arith.constant 0 : i32
      %dma_start3A_46 = arith.constant 0 : i32
      %dma_start3A_47 = tpu.memref_slice %arg7[%dma_start3A_45, %dma_start3A_46] : memref<128x128xf32, #tpu.memory_space<vmem>> -> memref<128x128xf32, #tpu.memory_space<vmem>>
      tpu.enqueue_dma source(%dma_start3A_47 : memref<128x128xf32, #tpu.memory_space<vmem>>) target(%dma_start3A_44 : memref<128x128xf32, #tpu.memory_space<hbm>>) target_semaphore(%arg11 : memref<!tpu.dma_semaphore, #tpu.memory_space<semaphore_mem>>)
      %dma_wait3A_48 = arith.constant 0 : i32
      %dma_wait3A_49 = arith.constant 0 : i32
      %dma_wait3A_50 = tpu.memref_slice %arg7[%dma_wait3A_48, %dma_wait3A_49] : memref<128x128xf32, #tpu.memory_space<vmem>> -> memref<128x128xf32, #tpu.memory_space<vmem>>
      %dma_wait3A_51 = arith.constant 0 : i32
      %dma_wait3A_52 = tpu.memref_slice %arg4[%add3A_37, %dma_wait3A_51] : memref<100000x128xf32, #tpu.memory_space<hbm>> -> memref<128x128xf32, #tpu.memory_space<hbm>>
      %dma_wait3A_53 = arith.constant 0 : i32
      %dma_wait3A_54 = tpu.memref_slice %arg4[%add3A_37, %dma_wait3A_53] : memref<100000x128xf32, #tpu.memory_space<hbm>> -> memref<128x128xf32, #tpu.memory_space<hbm>>
      %dma_wait3A_55 = arith.constant 0 : i32
      %dma_wait3A_56 = arith.constant 0 : i32
      %dma_wait3A_57 = tpu.memref_slice %arg7[%dma_wait3A_55, %dma_wait3A_56] : memref<128x128xf32, #tpu.memory_space<vmem>> -> memref<128x128xf32, #tpu.memory_space<vmem>>
      tpu.wait_dma2 semaphore(%arg11 : memref<!tpu.dma_semaphore, #tpu.memory_space<semaphore_mem>>) src(%dma_wait3A_57 : memref<128x128xf32, #tpu.memory_space<vmem>>) dst(%dma_wait3A_54 : memref<128x128xf32, #tpu.memory_space<hbm>>)
      %dma_start3A_58 = arith.constant 0 : i32
      %dma_start3A_59 = arith.constant 0 : i32
      %dma_start3A_60 = tpu.memref_slice %arg7[%dma_start3A_58, %dma_start3A_59] : memref<128x128xf32, #tpu.memory_space<vmem>> -> memref<128x128xf32, #tpu.memory_space<vmem>>
      %dma_start3A_61 = arith.constant 256 : i32
      %dma_start3A_62 = tpu.memref_slice %arg5[%dma_start3A_61] : memref<3200xi32, #tpu.memory_space<vmem>> -> memref<128xi32, #tpu.memory_space<vmem>>
      %dma_start3A_63 = arith.constant 0 : i32
      %dma_start3A_64 = arith.constant 0 : i32
      %dma_start3A_65 = tpu.memref_slice %arg6[%dma_start3A_63, %dma_start3A_64] : memref<56x128xf32, #tpu.memory_space<vmem_shared>> -> memref<56x128xf32, #tpu.memory_space<vmem_shared>>
      tpu.enqueue_indirect_dma source(%dma_start3A_65 : memref<56x128xf32, #tpu.memory_space<vmem_shared>>) target(%dma_start3A_60 : memref<128x128xf32, #tpu.memory_space<vmem>>) offsets(%dma_start3A_62 : memref<128xi32, #tpu.memory_space<vmem>>) semaphore(%arg9 : memref<!tpu.dma_semaphore, #tpu.memory_space<semaphore_mem>>)
      %dma_wait3A_66 = arith.constant 0 : i32
      %dma_wait3A_67 = arith.constant 0 : i32
      %dma_wait3A_68 = tpu.memref_slice %arg8[%dma_wait3A_66, %dma_wait3A_67] : memref<128x128xf32, #tpu.memory_space<vmem>> -> memref<128x128xf32, #tpu.memory_space<vmem>>
      %dma_wait3A_69 = arith.constant 128 : i32
      %dma_wait3A_70 = tpu.memref_slice %arg5[%dma_wait3A_69] : memref<3200xi32, #tpu.memory_space<vmem>> -> memref<128xi32, #tpu.memory_space<vmem>>
      %dma_wait3A_71 = arith.constant 0 : i32
      %dma_wait3A_72 = arith.constant 0 : i32
      %dma_wait3A_73 = tpu.memref_slice %arg6[%dma_wait3A_71, %dma_wait3A_72] : memref<56x128xf32, #tpu.memory_space<vmem_shared>> -> memref<56x128xf32, #tpu.memory_space<vmem_shared>>
      tpu.wait_indirect_dma semaphore(%arg10 : memref<!tpu.dma_semaphore, #tpu.memory_space<semaphore_mem>>) src(%dma_wait3A_73 : memref<56x128xf32, #tpu.memory_space<vmem_shared>>) dst(%dma_wait3A_68 : memref<128x128xf32, #tpu.memory_space<vmem>>)
      %add3A_74 = arith.constant 128 : i32
      %add3A_75 = arith.addi %mul3A_2, %add3A_74 : i32
      %dma_start3A_76 = arith.constant 0 : i32
      %dma_start3A_77 = arith.constant 0 : i32
      %dma_start3A_78 = tpu.memref_slice %arg8[%dma_start3A_76, %dma_start3A_77] : memref<128x128xf32, #tpu.memory_space<vmem>> -> memref<128x128xf32, #tpu.memory_space<vmem>>
      %dma_start3A_79 = arith.constant 0 : i32
      %dma_start3A_80 = tpu.memref_slice %arg4[%add3A_75, %dma_start3A_79] : memref<100000x128xf32, #tpu.memory_space<hbm>> -> memref<128x128xf32, #tpu.memory_space<hbm>>
      %dma_start3A_81 = arith.constant 0 : i32
      %dma_start3A_82 = tpu.memref_slice %arg4[%add3A_75, %dma_start3A_81] : memref<100000x128xf32, #tpu.memory_space<hbm>> -> memref<128x128xf32, #tpu.memory_space<hbm>>
      %dma_start3A_83 = arith.constant 0 : i32
      %dma_start3A_84 = arith.constant 0 : i32
      %dma_start3A_85 = tpu.memref_slice %arg8[%dma_start3A_83, %dma_start3A_84] : memref<128x128xf32, #tpu.memory_space<vmem>> -> memref<128x128xf32, #tpu.memory_space<vmem>>
      tpu.enqueue_dma source(%dma_start3A_85 : memref<128x128xf32, #tpu.memory_space<vmem>>) target(%dma_start3A_82 : memref<128x128xf32, #tpu.memory_space<hbm>>) target_semaphore(%arg12 : memref<!tpu.dma_semaphore, #tpu.memory_space<semaphore_mem>>)
      %dma_wait3A_86 = arith.constant 0 : i32
      %dma_wait3A_87 = arith.constant 0 : i32
      %dma_wait3A_88 = tpu.memref_slice %arg8[%dma_wait3A_86, %dma_wait3A_87] : memref<128x128xf32, #tpu.memory_space<vmem>> -> memref<128x128xf32, #tpu.memory_space<vmem>>
      %dma_wait3A_89 = arith.constant 0 : i32
      %dma_wait3A_90 = tpu.memref_slice %arg4[%add3A_75, %dma_wait3A_89] : memref<100000x128xf32, #tpu.memory_space<hbm>> -> memref<128x128xf32, #tpu.memory_space<hbm>>
      %dma_wait3A_91 = arith.constant 0 : i32
      %dma_wait3A_92 = tpu.memref_slice %arg4[%add3A_75, %dma_wait3A_91] : memref<100000x128xf32, #tpu.memory_space<hbm>> -> memref<128x128xf32, #tpu.memory_space<hbm>>
      %dma_wait3A_93 = arith.constant 0 : i32
      %dma_wait3A_94 = arith.constant 0 : i32
      %dma_wait3A_95 = tpu.memref_slice %arg8[%dma_wait3A_93, %dma_wait3A_94] : memref<128x128xf32, #tpu.memory_space<vmem>> -> memref<128x128xf32, #tpu.memory_space<vmem>>
      tpu.wait_dma2 semaphore(%arg12 : memref<!tpu.dma_semaphore, #tpu.memory_space<semaphore_mem>>) src(%dma_wait3A_95 : memref<128x128xf32, #tpu.memory_space<vmem>>) dst(%dma_wait3A_92 : memref<128x128xf32, #tpu.memory_space<hbm>>)
      %dma_start3A_96 = arith.constant 0 : i32
      %dma_start3A_97 = arith.constant 0 : i32
      %dma_start3A_98 = tpu.memref_slice %arg8[%dma_start3A_96, %dma_start3A_97] : memref<128x128xf32, #tpu.memory_space<vmem>> -> memref<128x128xf32, #tpu.memory_space<vmem>>
      %dma_start3A_99 = arith.constant 384 : i32
      %dma_start3A_100 = tpu.memref_slice %arg5[%dma_start3A_99] : memref<3200xi32, #tpu.memory_space<vmem>> -> memref<128xi32, #tpu.memory_space<vmem>>
      %dma_start3A_101 = arith.constant 0 : i32
      %dma_start3A_102 = arith.constant 0 : i32
      %dma_start3A_103 = tpu.memref_slice %arg6[%dma_start3A_101, %dma_start3A_102] : memref<56x128xf32, #tpu.memory_space<vmem_shared>> -> memref<56x128xf32, #tpu.memory_space<vmem_shared>>
      tpu.enqueue_indirect_dma source(%dma_start3A_103 : memref<56x128xf32, #tpu.memory_space<vmem_shared>>) target(%dma_start3A_98 : memref<128x128xf32, #tpu.memory_space<vmem>>) offsets(%dma_start3A_100 : memref<128xi32, #tpu.memory_space<vmem>>) semaphore(%arg10 : memref<!tpu.dma_semaphore, #tpu.memory_space<semaphore_mem>>)
      %dma_wait3A_104 = arith.constant 0 : i32
      %dma_wait3A_105 = arith.constant 0 : i32
      %dma_wait3A_106 = tpu.memref_slice %arg7[%dma_wait3A_104, %dma_wait3A_105] : memref<128x128xf32, #tpu.memory_space<vmem>> -> memref<128x128xf32, #tpu.memory_space<vmem>>
      %dma_wait3A_107 = arith.constant 256 : i32
      %dma_wait3A_108 = tpu.memref_slice %arg5[%dma_wait3A_107] : memref<3200xi32, #tpu.memory_space<vmem>> -> memref<128xi32, #tpu.memory_space<vmem>>
      %dma_wait3A_109 = arith.constant 0 : i32
      %dma_wait3A_110 = arith.constant 0 : i32
      %dma_wait3A_111 = tpu.memref_slice %arg6[%dma_wait3A_109, %dma_wait3A_110] : memref<56x128xf32, #tpu.memory_space<vmem_shared>> -> memref<56x128xf32, #tpu.memory_space<vmem_shared>>
      tpu.wait_indirect_dma semaphore(%arg9 : memref<!tpu.dma_semaphore, #tpu.memory_space<semaphore_mem>>) src(%dma_wait3A_111 : memref<56x128xf32, #tpu.memory_space<vmem_shared>>) dst(%dma_wait3A_106 : memref<128x128xf32, #tpu.memory_space<vmem>>)
      %add3A_112 = arith.constant 256 : i32
      %add3A_113 = arith.addi %mul3A_2, %add3A_112 : i32
      %dma_start3A_114 = arith.constant 0 : i32
      %dma_start3A_115 = arith.constant 0 : i32
      %dma_start3A_116 = tpu.memref_slice %arg7[%dma_start3A_114, %dma_start3A_115] : memref<128x128xf32, #tpu.memory_space<vmem>> -> memref<128x128xf32, #tpu.memory_space<vmem>>
      %dma_start3A_117 = arith.constant 0 : i32
      %dma_start3A_118 = tpu.memref_slice %arg4[%add3A_113, %dma_start3A_117] : memref<100000x128xf32, #tpu.memory_space<hbm>> -> memref<128x128xf32, #tpu.memory_space<hbm>>
      %dma_start3A_119 = arith.constant 0 : i32
      %dma_start3A_120 = tpu.memref_slice %arg4[%add3A_113, %dma_start3A_119] : memref<100000x128xf32, #tpu.memory_space<hbm>> -> memref<128x128xf32, #tpu.memory_space<hbm>>
      %dma_start3A_121 = arith.constant 0 : i32
      %dma_start3A_122 = arith.constant 0 : i32
      %dma_start3A_123 = tpu.memref_slice %arg7[%dma_start3A_121, %dma_start3A_122] : memref<128x128xf32, #tpu.memory_space<vmem>> -> memref<128x128xf32, #tpu.memory_space<vmem>>
      tpu.enqueue_dma source(%dma_start3A_123 : memref<128x128xf32, #tpu.memory_space<vmem>>) target(%dma_start3A_120 : memref<128x128xf32, #tpu.memory_space<hbm>>) target_semaphore(%arg11 : memref<!tpu.dma_semaphore, #tpu.memory_space<semaphore_mem>>)
      %dma_wait3A_124 = arith.constant 0 : i32
      %dma_wait3A_125 = arith.constant 0 : i32
      %dma_wait3A_126 = tpu.memref_slice %arg7[%dma_wait3A_124, %dma_wait3A_125] : memref<128x128xf32, #tpu.memory_space<vmem>> -> memref<128x128xf32, #tpu.memory_space<vmem>>
      %dma_wait3A_127 = arith.constant 0 : i32
      %dma_wait3A_128 = tpu.memref_slice %arg4[%add3A_113, %dma_wait3A_127] : memref<100000x128xf32, #tpu.memory_space<hbm>> -> memref<128x128xf32, #tpu.memory_space<hbm>>
      %dma_wait3A_129 = arith.constant 0 : i32
      %dma_wait3A_130 = tpu.memref_slice %arg4[%add3A_113, %dma_wait3A_129] : memref<100000x128xf32, #tpu.memory_space<hbm>> -> memref<128x128xf32, #tpu.memory_space<hbm>>
      %dma_wait3A_131 = arith.constant 0 : i32
      %dma_wait3A_132 = arith.constant 0 : i32
      %dma_wait3A_133 = tpu.memref_slice %arg7[%dma_wait3A_131, %dma_wait3A_132] : memref<128x128xf32, #tpu.memory_space<vmem>> -> memref<128x128xf32, #tpu.memory_space<vmem>>
      tpu.wait_dma2 semaphore(%arg11 : memref<!tpu.dma_semaphore, #tpu.memory_space<semaphore_mem>>) src(%dma_wait3A_133 : memref<128x128xf32, #tpu.memory_space<vmem>>) dst(%dma_wait3A_130 : memref<128x128xf32, #tpu.memory_space<hbm>>)
      %dma_start3A_134 = arith.constant 0 : i32
      %dma_start3A_135 = arith.constant 0 : i32
      %dma_start3A_136 = tpu.memref_slice %arg7[%dma_start3A_134, %dma_start3A_135] : memref<128x128xf32, #tpu.memory_space<vmem>> -> memref<128x128xf32, #tpu.memory_space<vmem>>
      %dma_start3A_137 = arith.constant 512 : i32
      %dma_start3A_138 = tpu.memref_slice %arg5[%dma_start3A_137] : memref<3200xi32, #tpu.memory_space<vmem>> -> memref<128xi32, #tpu.memory_space<vmem>>
      %dma_start3A_139 = arith.constant 0 : i32
      %dma_start3A_140 = arith.constant 0 : i32
      %dma_start3A_141 = tpu.memref_slice %arg6[%dma_start3A_139, %dma_start3A_140] : memref<56x128xf32, #tpu.memory_space<vmem_shared>> -> memref<56x128xf32, #tpu.memory_space<vmem_shared>>
      tpu.enqueue_indirect_dma source(%dma_start3A_141 : memref<56x128xf32, #tpu.memory_space<vmem_shared>>) target(%dma_start3A_136 : memref<128x128xf32, #tpu.memory_space<vmem>>) offsets(%dma_start3A_138 : memref<128xi32, #tpu.memory_space<vmem>>) semaphore(%arg9 : memref<!tpu.dma_semaphore, #tpu.memory_space<semaphore_mem>>)
      %dma_wait3A_142 = arith.constant 0 : i32
      %dma_wait3A_143 = arith.constant 0 : i32
      %dma_wait3A_144 = tpu.memref_slice %arg8[%dma_wait3A_142, %dma_wait3A_143] : memref<128x128xf32, #tpu.memory_space<vmem>> -> memref<128x128xf32, #tpu.memory_space<vmem>>
      %dma_wait3A_145 = arith.constant 384 : i32
      %dma_wait3A_146 = tpu.memref_slice %arg5[%dma_wait3A_145] : memref<3200xi32, #tpu.memory_space<vmem>> -> memref<128xi32, #tpu.memory_space<vmem>>
      %dma_wait3A_147 = arith.constant 0 : i32
      %dma_wait3A_148 = arith.constant 0 : i32
      %dma_wait3A_149 = tpu.memref_slice %arg6[%dma_wait3A_147, %dma_wait3A_148] : memref<56x128xf32, #tpu.memory_space<vmem_shared>> -> memref<56x128xf32, #tpu.memory_space<vmem_shared>>
      tpu.wait_indirect_dma semaphore(%arg10 : memref<!tpu.dma_semaphore, #tpu.memory_space<semaphore_mem>>) src(%dma_wait3A_149 : memref<56x128xf32, #tpu.memory_space<vmem_shared>>) dst(%dma_wait3A_144 : memref<128x128xf32, #tpu.memory_space<vmem>>)
      %add3A_150 = arith.constant 384 : i32
      %add3A_151 = arith.addi %mul3A_2, %add3A_150 : i32
      %dma_start3A_152 = arith.constant 0 : i32
      %dma_start3A_153 = arith.constant 0 : i32
      %dma_start3A_154 = tpu.memref_slice %arg8[%dma_start3A_152, %dma_start3A_153] : memref<128x128xf32, #tpu.memory_space<vmem>> -> memref<128x128xf32, #tpu.memory_space<vmem>>
      %dma_start3A_155 = arith.constant 0 : i32
      %dma_start3A_156 = tpu.memref_slice %arg4[%add3A_151, %dma_start3A_155] : memref<100000x128xf32, #tpu.memory_space<hbm>> -> memref<128x128xf32, #tpu.memory_space<hbm>>
      %dma_start3A_157 = arith.constant 0 : i32
      %dma_start3A_158 = tpu.memref_slice %arg4[%add3A_151, %dma_start3A_157] : memref<100000x128xf32, #tpu.memory_space<hbm>> -> memref<128x128xf32, #tpu.memory_space<hbm>>
      %dma_start3A_159 = arith.constant 0 : i32
      %dma_start3A_160 = arith.constant 0 : i32
      %dma_start3A_161 = tpu.memref_slice %arg8[%dma_start3A_159, %dma_start3A_160] : memref<128x128xf32, #tpu.memory_space<vmem>> -> memref<128x128xf32, #tpu.memory_space<vmem>>
      tpu.enqueue_dma source(%dma_start3A_161 : memref<128x128xf32, #tpu.memory_space<vmem>>) target(%dma_start3A_158 : memref<128x128xf32, #tpu.memory_space<hbm>>) target_semaphore(%arg12 : memref<!tpu.dma_semaphore, #tpu.memory_space<semaphore_mem>>)
      %dma_wait3A_162 = arith.constant 0 : i32
      %dma_wait3A_163 = arith.constant 0 : i32
      %dma_wait3A_164 = tpu.memref_slice %arg8[%dma_wait3A_162, %dma_wait3A_163] : memref<128x128xf32, #tpu.memory_space<vmem>> -> memref<128x128xf32, #tpu.memory_space<vmem>>
      %dma_wait3A_165 = arith.constant 0 : i32
      %dma_wait3A_166 = tpu.memref_slice %arg4[%add3A_151, %dma_wait3A_165] : memref<100000x128xf32, #tpu.memory_space<hbm>> -> memref<128x128xf32, #tpu.memory_space<hbm>>
      %dma_wait3A_167 = arith.constant 0 : i32
      %dma_wait3A_168 = tpu.memref_slice %arg4[%add3A_151, %dma_wait3A_167] : memref<100000x128xf32, #tpu.memory_space<hbm>> -> memref<128x128xf32, #tpu.memory_space<hbm>>
      %dma_wait3A_169 = arith.constant 0 : i32
      %dma_wait3A_170 = arith.constant 0 : i32
      %dma_wait3A_171 = tpu.memref_slice %arg8[%dma_wait3A_169, %dma_wait3A_170] : memref<128x128xf32, #tpu.memory_space<vmem>> -> memref<128x128xf32, #tpu.memory_space<vmem>>
      tpu.wait_dma2 semaphore(%arg12 : memref<!tpu.dma_semaphore, #tpu.memory_space<semaphore_mem>>) src(%dma_wait3A_171 : memref<128x128xf32, #tpu.memory_space<vmem>>) dst(%dma_wait3A_168 : memref<128x128xf32, #tpu.memory_space<hbm>>)
      %dma_start3A_172 = arith.constant 0 : i32
      %dma_start3A_173 = arith.constant 0 : i32
      %dma_start3A_174 = tpu.memref_slice %arg8[%dma_start3A_172, %dma_start3A_173] : memref<128x128xf32, #tpu.memory_space<vmem>> -> memref<128x128xf32, #tpu.memory_space<vmem>>
      %dma_start3A_175 = arith.constant 640 : i32
      %dma_start3A_176 = tpu.memref_slice %arg5[%dma_start3A_175] : memref<3200xi32, #tpu.memory_space<vmem>> -> memref<128xi32, #tpu.memory_space<vmem>>
      %dma_start3A_177 = arith.constant 0 : i32
      %dma_start3A_178 = arith.constant 0 : i32
      %dma_start3A_179 = tpu.memref_slice %arg6[%dma_start3A_177, %dma_start3A_178] : memref<56x128xf32, #tpu.memory_space<vmem_shared>> -> memref<56x128xf32, #tpu.memory_space<vmem_shared>>
      tpu.enqueue_indirect_dma source(%dma_start3A_179 : memref<56x128xf32, #tpu.memory_space<vmem_shared>>) target(%dma_start3A_174 : memref<128x128xf32, #tpu.memory_space<vmem>>) offsets(%dma_start3A_176 : memref<128xi32, #tpu.memory_space<vmem>>) semaphore(%arg10 : memref<!tpu.dma_semaphore, #tpu.memory_space<semaphore_mem>>)
      %dma_wait3A_180 = arith.constant 0 : i32
      %dma_wait3A_181 = arith.constant 0 : i32
      %dma_wait3A_182 = tpu.memref_slice %arg7[%dma_wait3A_180, %dma_wait3A_181] : memref<128x128xf32, #tpu.memory_space<vmem>> -> memref<128x128xf32, #tpu.memory_space<vmem>>
      %dma_wait3A_183 = arith.constant 512 : i32
      %dma_wait3A_184 = tpu.memref_slice %arg5[%dma_wait3A_183] : memref<3200xi32, #tpu.memory_space<vmem>> -> memref<128xi32, #tpu.memory_space<vmem>>
      %dma_wait3A_185 = arith.constant 0 : i32
      %dma_wait3A_186 = arith.constant 0 : i32
      %dma_wait3A_187 = tpu.memref_slice %arg6[%dma_wait3A_185, %dma_wait3A_186] : memref<56x128xf32, #tpu.memory_space<vmem_shared>> -> memref<56x128xf32, #tpu.memory_space<vmem_shared>>
      tpu.wait_indirect_dma semaphore(%arg9 : memref<!tpu.dma_semaphore, #tpu.memory_space<semaphore_mem>>) src(%dma_wait3A_187 : memref<56x128xf32, #tpu.memory_space<vmem_shared>>) dst(%dma_wait3A_182 : memref<128x128xf32, #tpu.memory_space<vmem>>)
      %add3A_188 = arith.constant 512 : i32
      %add3A_189 = arith.addi %mul3A_2, %add3A_188 : i32
      %dma_start3A_190 = arith.constant 0 : i32
      %dma_start3A_191 = arith.constant 0 : i32
      %dma_start3A_192 = tpu.memref_slice %arg7[%dma_start3A_190, %dma_start3A_191] : memref<128x128xf32, #tpu.memory_space<vmem>> -> memref<128x128xf32, #tpu.memory_space<vmem>>
      %dma_start3A_193 = arith.constant 0 : i32
      %dma_start3A_194 = tpu.memref_slice %arg4[%add3A_189, %dma_start3A_193] : memref<100000x128xf32, #tpu.memory_space<hbm>> -> memref<128x128xf32, #tpu.memory_space<hbm>>
      %dma_start3A_195 = arith.constant 0 : i32
      %dma_start3A_196 = tpu.memref_slice %arg4[%add3A_189, %dma_start3A_195] : memref<100000x128xf32, #tpu.memory_space<hbm>> -> memref<128x128xf32, #tpu.memory_space<hbm>>
      %dma_start3A_197 = arith.constant 0 : i32
      %dma_start3A_198 = arith.constant 0 : i32
      %dma_start3A_199 = tpu.memref_slice %arg7[%dma_start3A_197, %dma_start3A_198] : memref<128x128xf32, #tpu.memory_space<vmem>> -> memref<128x128xf32, #tpu.memory_space<vmem>>
      tpu.enqueue_dma source(%dma_start3A_199 : memref<128x128xf32, #tpu.memory_space<vmem>>) target(%dma_start3A_196 : memref<128x128xf32, #tpu.memory_space<hbm>>) target_semaphore(%arg11 : memref<!tpu.dma_semaphore, #tpu.memory_space<semaphore_mem>>)
      %dma_wait3A_200 = arith.constant 0 : i32
      %dma_wait3A_201 = arith.constant 0 : i32
      %dma_wait3A_202 = tpu.memref_slice %arg7[%dma_wait3A_200, %dma_wait3A_201] : memref<128x128xf32, #tpu.memory_space<vmem>> -> memref<128x128xf32, #tpu.memory_space<vmem>>
      %dma_wait3A_203 = arith.constant 0 : i32
      %dma_wait3A_204 = tpu.memref_slice %arg4[%add3A_189, %dma_wait3A_203] : memref<100000x128xf32, #tpu.memory_space<hbm>> -> memref<128x128xf32, #tpu.memory_space<hbm>>
      %dma_wait3A_205 = arith.constant 0 : i32
      %dma_wait3A_206 = tpu.memref_slice %arg4[%add3A_189, %dma_wait3A_205] : memref<100000x128xf32, #tpu.memory_space<hbm>> -> memref<128x128xf32, #tpu.memory_space<hbm>>
      %dma_wait3A_207 = arith.constant 0 : i32
      %dma_wait3A_208 = arith.constant 0 : i32
      %dma_wait3A_209 = tpu.memref_slice %arg7[%dma_wait3A_207, %dma_wait3A_208] : memref<128x128xf32, #tpu.memory_space<vmem>> -> memref<128x128xf32, #tpu.memory_space<vmem>>
      tpu.wait_dma2 semaphore(%arg11 : memref<!tpu.dma_semaphore, #tpu.memory_space<semaphore_mem>>) src(%dma_wait3A_209 : memref<128x128xf32, #tpu.memory_space<vmem>>) dst(%dma_wait3A_206 : memref<128x128xf32, #tpu.memory_space<hbm>>)
      %dma_start3A_210 = arith.constant 0 : i32
      %dma_start3A_211 = arith.constant 0 : i32
      %dma_start3A_212 = tpu.memref_slice %arg7[%dma_start3A_210, %dma_start3A_211] : memref<128x128xf32, #tpu.memory_space<vmem>> -> memref<128x128xf32, #tpu.memory_space<vmem>>
      %dma_start3A_213 = arith.constant 768 : i32
      %dma_start3A_214 = tpu.memref_slice %arg5[%dma_start3A_213] : memref<3200xi32, #tpu.memory_space<vmem>> -> memref<128xi32, #tpu.memory_space<vmem>>
      %dma_start3A_215 = arith.constant 0 : i32
      %dma_start3A_216 = arith.constant 0 : i32
      %dma_start3A_217 = tpu.memref_slice %arg6[%dma_start3A_215, %dma_start3A_216] : memref<56x128xf32, #tpu.memory_space<vmem_shared>> -> memref<56x128xf32, #tpu.memory_space<vmem_shared>>
      tpu.enqueue_indirect_dma source(%dma_start3A_217 : memref<56x128xf32, #tpu.memory_space<vmem_shared>>) target(%dma_start3A_212 : memref<128x128xf32, #tpu.memory_space<vmem>>) offsets(%dma_start3A_214 : memref<128xi32, #tpu.memory_space<vmem>>) semaphore(%arg9 : memref<!tpu.dma_semaphore, #tpu.memory_space<semaphore_mem>>)
      %dma_wait3A_218 = arith.constant 0 : i32
      %dma_wait3A_219 = arith.constant 0 : i32
      %dma_wait3A_220 = tpu.memref_slice %arg8[%dma_wait3A_218, %dma_wait3A_219] : memref<128x128xf32, #tpu.memory_space<vmem>> -> memref<128x128xf32, #tpu.memory_space<vmem>>
      %dma_wait3A_221 = arith.constant 640 : i32
      %dma_wait3A_222 = tpu.memref_slice %arg5[%dma_wait3A_221] : memref<3200xi32, #tpu.memory_space<vmem>> -> memref<128xi32, #tpu.memory_space<vmem>>
      %dma_wait3A_223 = arith.constant 0 : i32
      %dma_wait3A_224 = arith.constant 0 : i32
      %dma_wait3A_225 = tpu.memref_slice %arg6[%dma_wait3A_223, %dma_wait3A_224] : memref<56x128xf32, #tpu.memory_space<vmem_shared>> -> memref<56x128xf32, #tpu.memory_space<vmem_shared>>
      tpu.wait_indirect_dma semaphore(%arg10 : memref<!tpu.dma_semaphore, #tpu.memory_space<semaphore_mem>>) src(%dma_wait3A_225 : memref<56x128xf32, #tpu.memory_space<vmem_shared>>) dst(%dma_wait3A_220 : memref<128x128xf32, #tpu.memory_space<vmem>>)
      %add3A_226 = arith.constant 640 : i32
      %add3A_227 = arith.addi %mul3A_2, %add3A_226 : i32
      %dma_start3A_228 = arith.constant 0 : i32
      %dma_start3A_229 = arith.constant 0 : i32
      %dma_start3A_230 = tpu.memref_slice %arg8[%dma_start3A_228, %dma_start3A_229] : memref<128x128xf32, #tpu.memory_space<vmem>> -> memref<128x128xf32, #tpu.memory_space<vmem>>
      %dma_start3A_231 = arith.constant 0 : i32
      %dma_start3A_232 = tpu.memref_slice %arg4[%add3A_227, %dma_start3A_231] : memref<100000x128xf32, #tpu.memory_space<hbm>> -> memref<128x128xf32, #tpu.memory_space<hbm>>
      %dma_start3A_233 = arith.constant 0 : i32
      %dma_start3A_234 = tpu.memref_slice %arg4[%add3A_227, %dma_start3A_233] : memref<100000x128xf32, #tpu.memory_space<hbm>> -> memref<128x128xf32, #tpu.memory_space<hbm>>
      %dma_start3A_235 = arith.constant 0 : i32
      %dma_start3A_236 = arith.constant 0 : i32
      %dma_start3A_237 = tpu.memref_slice %arg8[%dma_start3A_235, %dma_start3A_236] : memref<128x128xf32, #tpu.memory_space<vmem>> -> memref<128x128xf32, #tpu.memory_space<vmem>>
      tpu.enqueue_dma source(%dma_start3A_237 : memref<128x128xf32, #tpu.memory_space<vmem>>) target(%dma_start3A_234 : memref<128x128xf32, #tpu.memory_space<hbm>>) target_semaphore(%arg12 : memref<!tpu.dma_semaphore, #tpu.memory_space<semaphore_mem>>)
      %dma_wait3A_238 = arith.constant 0 : i32
      %dma_wait3A_239 = arith.constant 0 : i32
      %dma_wait3A_240 = tpu.memref_slice %arg8[%dma_wait3A_238, %dma_wait3A_239] : memref<128x128xf32, #tpu.memory_space<vmem>> -> memref<128x128xf32, #tpu.memory_space<vmem>>
      %dma_wait3A_241 = arith.constant 0 : i32
      %dma_wait3A_242 = tpu.memref_slice %arg4[%add3A_227, %dma_wait3A_241] : memref<100000x128xf32, #tpu.memory_space<hbm>> -> memref<128x128xf32, #tpu.memory_space<hbm>>
      %dma_wait3A_243 = arith.constant 0 : i32
      %dma_wait3A_244 = tpu.memref_slice %arg4[%add3A_227, %dma_wait3A_243] : memref<100000x128xf32, #tpu.memory_space<hbm>> -> memref<128x128xf32, #tpu.memory_space<hbm>>
      %dma_wait3A_245 = arith.constant 0 : i32
      %dma_wait3A_246 = arith.constant 0 : i32
      %dma_wait3A_247 = tpu.memref_slice %arg8[%dma_wait3A_245, %dma_wait3A_246] : memref<128x128xf32, #tpu.memory_space<vmem>> -> memref<128x128xf32, #tpu.memory_space<vmem>>
      tpu.wait_dma2 semaphore(%arg12 : memref<!tpu.dma_semaphore, #tpu.memory_space<semaphore_mem>>) src(%dma_wait3A_247 : memref<128x128xf32, #tpu.memory_space<vmem>>) dst(%dma_wait3A_244 : memref<128x128xf32, #tpu.memory_space<hbm>>)
      %dma_start3A_248 = arith.constant 0 : i32
      %dma_start3A_249 = arith.constant 0 : i32
      %dma_start3A_250 = tpu.memref_slice %arg8[%dma_start3A_248, %dma_start3A_249] : memref<128x128xf32, #tpu.memory_space<vmem>> -> memref<128x128xf32, #tpu.memory_space<vmem>>
      %dma_start3A_251 = arith.constant 896 : i32
      %dma_start3A_252 = tpu.memref_slice %arg5[%dma_start3A_251] : memref<3200xi32, #tpu.memory_space<vmem>> -> memref<128xi32, #tpu.memory_space<vmem>>
      %dma_start3A_253 = arith.constant 0 : i32
      %dma_start3A_254 = arith.constant 0 : i32
      %dma_start3A_255 = tpu.memref_slice %arg6[%dma_start3A_253, %dma_start3A_254] : memref<56x128xf32, #tpu.memory_space<vmem_shared>> -> memref<56x128xf32, #tpu.memory_space<vmem_shared>>
      tpu.enqueue_indirect_dma source(%dma_start3A_255 : memref<56x128xf32, #tpu.memory_space<vmem_shared>>) target(%dma_start3A_250 : memref<128x128xf32, #tpu.memory_space<vmem>>) offsets(%dma_start3A_252 : memref<128xi32, #tpu.memory_space<vmem>>) semaphore(%arg10 : memref<!tpu.dma_semaphore, #tpu.memory_space<semaphore_mem>>)
      %dma_wait3A_256 = arith.constant 0 : i32
      %dma_wait3A_257 = arith.constant 0 : i32
      %dma_wait3A_258 = tpu.memref_slice %arg7[%dma_wait3A_256, %dma_wait3A_257] : memref<128x128xf32, #tpu.memory_space<vmem>> -> memref<128x128xf32, #tpu.memory_space<vmem>>
      %dma_wait3A_259 = arith.constant 768 : i32
      %dma_wait3A_260 = tpu.memref_slice %arg5[%dma_wait3A_259] : memref<3200xi32, #tpu.memory_space<vmem>> -> memref<128xi32, #tpu.memory_space<vmem>>
      %dma_wait3A_261 = arith.constant 0 : i32
      %dma_wait3A_262 = arith.constant 0 : i32
      %dma_wait3A_263 = tpu.memref_slice %arg6[%dma_wait3A_261, %dma_wait3A_262] : memref<56x128xf32, #tpu.memory_space<vmem_shared>> -> memref<56x128xf32, #tpu.memory_space<vmem_shared>>
      tpu.wait_indirect_dma semaphore(%arg9 : memref<!tpu.dma_semaphore, #tpu.memory_space<semaphore_mem>>) src(%dma_wait3A_263 : memref<56x128xf32, #tpu.memory_space<vmem_shared>>) dst(%dma_wait3A_258 : memref<128x128xf32, #tpu.memory_space<vmem>>)
      %add3A_264 = arith.constant 768 : i32
      %add3A_265 = arith.addi %mul3A_2, %add3A_264 : i32
      %dma_start3A_266 = arith.constant 0 : i32
      %dma_start3A_267 = arith.constant 0 : i32
      %dma_start3A_268 = tpu.memref_slice %arg7[%dma_start3A_266, %dma_start3A_267] : memref<128x128xf32, #tpu.memory_space<vmem>> -> memref<128x128xf32, #tpu.memory_space<vmem>>
      %dma_start3A_269 = arith.constant 0 : i32
      %dma_start3A_270 = tpu.memref_slice %arg4[%add3A_265, %dma_start3A_269] : memref<100000x128xf32, #tpu.memory_space<hbm>> -> memref<128x128xf32, #tpu.memory_space<hbm>>
      %dma_start3A_271 = arith.constant 0 : i32
      %dma_start3A_272 = tpu.memref_slice %arg4[%add3A_265, %dma_start3A_271] : memref<100000x128xf32, #tpu.memory_space<hbm>> -> memref<128x128xf32, #tpu.memory_space<hbm>>
      %dma_start3A_273 = arith.constant 0 : i32
      %dma_start3A_274 = arith.constant 0 : i32
      %dma_start3A_275 = tpu.memref_slice %arg7[%dma_start3A_273, %dma_start3A_274] : memref<128x128xf32, #tpu.memory_space<vmem>> -> memref<128x128xf32, #tpu.memory_space<vmem>>
      tpu.enqueue_dma source(%dma_start3A_275 : memref<128x128xf32, #tpu.memory_space<vmem>>) target(%dma_start3A_272 : memref<128x128xf32, #tpu.memory_space<hbm>>) target_semaphore(%arg11 : memref<!tpu.dma_semaphore, #tpu.memory_space<semaphore_mem>>)
      %dma_wait3A_276 = arith.constant 0 : i32
      %dma_wait3A_277 = arith.constant 0 : i32
      %dma_wait3A_278 = tpu.memref_slice %arg7[%dma_wait3A_276, %dma_wait3A_277] : memref<128x128xf32, #tpu.memory_space<vmem>> -> memref<128x128xf32, #tpu.memory_space<vmem>>
      %dma_wait3A_279 = arith.constant 0 : i32
      %dma_wait3A_280 = tpu.memref_slice %arg4[%add3A_265, %dma_wait3A_279] : memref<100000x128xf32, #tpu.memory_space<hbm>> -> memref<128x128xf32, #tpu.memory_space<hbm>>
      %dma_wait3A_281 = arith.constant 0 : i32
      %dma_wait3A_282 = tpu.memref_slice %arg4[%add3A_265, %dma_wait3A_281] : memref<100000x128xf32, #tpu.memory_space<hbm>> -> memref<128x128xf32, #tpu.memory_space<hbm>>
      %dma_wait3A_283 = arith.constant 0 : i32
      %dma_wait3A_284 = arith.constant 0 : i32
      %dma_wait3A_285 = tpu.memref_slice %arg7[%dma_wait3A_283, %dma_wait3A_284] : memref<128x128xf32, #tpu.memory_space<vmem>> -> memref<128x128xf32, #tpu.memory_space<vmem>>
      tpu.wait_dma2 semaphore(%arg11 : memref<!tpu.dma_semaphore, #tpu.memory_space<semaphore_mem>>) src(%dma_wait3A_285 : memref<128x128xf32, #tpu.memory_space<vmem>>) dst(%dma_wait3A_282 : memref<128x128xf32, #tpu.memory_space<hbm>>)
      %dma_start3A_286 = arith.constant 0 : i32
      %dma_start3A_287 = arith.constant 0 : i32
      %dma_start3A_288 = tpu.memref_slice %arg7[%dma_start3A_286, %dma_start3A_287] : memref<128x128xf32, #tpu.memory_space<vmem>> -> memref<128x128xf32, #tpu.memory_space<vmem>>
      %dma_start3A_289 = arith.constant 1024 : i32
      %dma_start3A_290 = tpu.memref_slice %arg5[%dma_start3A_289] : memref<3200xi32, #tpu.memory_space<vmem>> -> memref<128xi32, #tpu.memory_space<vmem>>
      %dma_start3A_291 = arith.constant 0 : i32
      %dma_start3A_292 = arith.constant 0 : i32
      %dma_start3A_293 = tpu.memref_slice %arg6[%dma_start3A_291, %dma_start3A_292] : memref<56x128xf32, #tpu.memory_space<vmem_shared>> -> memref<56x128xf32, #tpu.memory_space<vmem_shared>>
      tpu.enqueue_indirect_dma source(%dma_start3A_293 : memref<56x128xf32, #tpu.memory_space<vmem_shared>>) target(%dma_start3A_288 : memref<128x128xf32, #tpu.memory_space<vmem>>) offsets(%dma_start3A_290 : memref<128xi32, #tpu.memory_space<vmem>>) semaphore(%arg9 : memref<!tpu.dma_semaphore, #tpu.memory_space<semaphore_mem>>)
      %dma_wait3A_294 = arith.constant 0 : i32
      %dma_wait3A_295 = arith.constant 0 : i32
      %dma_wait3A_296 = tpu.memref_slice %arg8[%dma_wait3A_294, %dma_wait3A_295] : memref<128x128xf32, #tpu.memory_space<vmem>> -> memref<128x128xf32, #tpu.memory_space<vmem>>
      %dma_wait3A_297 = arith.constant 896 : i32
      %dma_wait3A_298 = tpu.memref_slice %arg5[%dma_wait3A_297] : memref<3200xi32, #tpu.memory_space<vmem>> -> memref<128xi32, #tpu.memory_space<vmem>>
      %dma_wait3A_299 = arith.constant 0 : i32
      %dma_wait3A_300 = arith.constant 0 : i32
      %dma_wait3A_301 = tpu.memref_slice %arg6[%dma_wait3A_299, %dma_wait3A_300] : memref<56x128xf32, #tpu.memory_space<vmem_shared>> -> memref<56x128xf32, #tpu.memory_space<vmem_shared>>
      tpu.wait_indirect_dma semaphore(%arg10 : memref<!tpu.dma_semaphore, #tpu.memory_space<semaphore_mem>>) src(%dma_wait3A_301 : memref<56x128xf32, #tpu.memory_space<vmem_shared>>) dst(%dma_wait3A_296 : memref<128x128xf32, #tpu.memory_space<vmem>>)
      %add3A_302 = arith.constant 896 : i32
      %add3A_303 = arith.addi %mul3A_2, %add3A_302 : i32
      %dma_start3A_304 = arith.constant 0 : i32
      %dma_start3A_305 = arith.constant 0 : i32
      %dma_start3A_306 = tpu.memref_slice %arg8[%dma_start3A_304, %dma_start3A_305] : memref<128x128xf32, #tpu.memory_space<vmem>> -> memref<128x128xf32, #tpu.memory_space<vmem>>
      %dma_start3A_307 = arith.constant 0 : i32
      %dma_start3A_308 = tpu.memref_slice %arg4[%add3A_303, %dma_start3A_307] : memref<100000x128xf32, #tpu.memory_space<hbm>> -> memref<128x128xf32, #tpu.memory_space<hbm>>
      %dma_start3A_309 = arith.constant 0 : i32
      %dma_start3A_310 = tpu.memref_slice %arg4[%add3A_303, %dma_start3A_309] : memref<100000x128xf32, #tpu.memory_space<hbm>> -> memref<128x128xf32, #tpu.memory_space<hbm>>
      %dma_start3A_311 = arith.constant 0 : i32
      %dma_start3A_312 = arith.constant 0 : i32
      %dma_start3A_313 = tpu.memref_slice %arg8[%dma_start3A_311, %dma_start3A_312] : memref<128x128xf32, #tpu.memory_space<vmem>> -> memref<128x128xf32, #tpu.memory_space<vmem>>
      tpu.enqueue_dma source(%dma_start3A_313 : memref<128x128xf32, #tpu.memory_space<vmem>>) target(%dma_start3A_310 : memref<128x128xf32, #tpu.memory_space<hbm>>) target_semaphore(%arg12 : memref<!tpu.dma_semaphore, #tpu.memory_space<semaphore_mem>>)
      %dma_wait3A_314 = arith.constant 0 : i32
      %dma_wait3A_315 = arith.constant 0 : i32
      %dma_wait3A_316 = tpu.memref_slice %arg8[%dma_wait3A_314, %dma_wait3A_315] : memref<128x128xf32, #tpu.memory_space<vmem>> -> memref<128x128xf32, #tpu.memory_space<vmem>>
      %dma_wait3A_317 = arith.constant 0 : i32
      %dma_wait3A_318 = tpu.memref_slice %arg4[%add3A_303, %dma_wait3A_317] : memref<100000x128xf32, #tpu.memory_space<hbm>> -> memref<128x128xf32, #tpu.memory_space<hbm>>
      %dma_wait3A_319 = arith.constant 0 : i32
      %dma_wait3A_320 = tpu.memref_slice %arg4[%add3A_303, %dma_wait3A_319] : memref<100000x128xf32, #tpu.memory_space<hbm>> -> memref<128x128xf32, #tpu.memory_space<hbm>>
      %dma_wait3A_321 = arith.constant 0 : i32
      %dma_wait3A_322 = arith.constant 0 : i32
      %dma_wait3A_323 = tpu.memref_slice %arg8[%dma_wait3A_321, %dma_wait3A_322] : memref<128x128xf32, #tpu.memory_space<vmem>> -> memref<128x128xf32, #tpu.memory_space<vmem>>
      tpu.wait_dma2 semaphore(%arg12 : memref<!tpu.dma_semaphore, #tpu.memory_space<semaphore_mem>>) src(%dma_wait3A_323 : memref<128x128xf32, #tpu.memory_space<vmem>>) dst(%dma_wait3A_320 : memref<128x128xf32, #tpu.memory_space<hbm>>)
      %dma_start3A_324 = arith.constant 0 : i32
      %dma_start3A_325 = arith.constant 0 : i32
      %dma_start3A_326 = tpu.memref_slice %arg8[%dma_start3A_324, %dma_start3A_325] : memref<128x128xf32, #tpu.memory_space<vmem>> -> memref<128x128xf32, #tpu.memory_space<vmem>>
      %dma_start3A_327 = arith.constant 1152 : i32
      %dma_start3A_328 = tpu.memref_slice %arg5[%dma_start3A_327] : memref<3200xi32, #tpu.memory_space<vmem>> -> memref<128xi32, #tpu.memory_space<vmem>>
      %dma_start3A_329 = arith.constant 0 : i32
      %dma_start3A_330 = arith.constant 0 : i32
      %dma_start3A_331 = tpu.memref_slice %arg6[%dma_start3A_329, %dma_start3A_330] : memref<56x128xf32, #tpu.memory_space<vmem_shared>> -> memref<56x128xf32, #tpu.memory_space<vmem_shared>>
      tpu.enqueue_indirect_dma source(%dma_start3A_331 : memref<56x128xf32, #tpu.memory_space<vmem_shared>>) target(%dma_start3A_326 : memref<128x128xf32, #tpu.memory_space<vmem>>) offsets(%dma_start3A_328 : memref<128xi32, #tpu.memory_space<vmem>>) semaphore(%arg10 : memref<!tpu.dma_semaphore, #tpu.memory_space<semaphore_mem>>)
      %dma_wait3A_332 = arith.constant 0 : i32
      %dma_wait3A_333 = arith.constant 0 : i32
      %dma_wait3A_334 = tpu.memref_slice %arg7[%dma_wait3A_332, %dma_wait3A_333] : memref<128x128xf32, #tpu.memory_space<vmem>> -> memref<128x128xf32, #tpu.memory_space<vmem>>
      %dma_wait3A_335 = arith.constant 1024 : i32
      %dma_wait3A_336 = tpu.memref_slice %arg5[%dma_wait3A_335] : memref<3200xi32, #tpu.memory_space<vmem>> -> memref<128xi32, #tpu.memory_space<vmem>>
      %dma_wait3A_337 = arith.constant 0 : i32
      %dma_wait3A_338 = arith.constant 0 : i32
      %dma_wait3A_339 = tpu.memref_slice %arg6[%dma_wait3A_337, %dma_wait3A_338] : memref<56x128xf32, #tpu.memory_space<vmem_shared>> -> memref<56x128xf32, #tpu.memory_space<vmem_shared>>
      tpu.wait_indirect_dma semaphore(%arg9 : memref<!tpu.dma_semaphore, #tpu.memory_space<semaphore_mem>>) src(%dma_wait3A_339 : memref<56x128xf32, #tpu.memory_space<vmem_shared>>) dst(%dma_wait3A_334 : memref<128x128xf32, #tpu.memory_space<vmem>>)
      %add3A_340 = arith.constant 1024 : i32
      %add3A_341 = arith.addi %mul3A_2, %add3A_340 : i32
      %dma_start3A_342 = arith.constant 0 : i32
      %dma_start3A_343 = arith.constant 0 : i32
      %dma_start3A_344 = tpu.memref_slice %arg7[%dma_start3A_342, %dma_start3A_343] : memref<128x128xf32, #tpu.memory_space<vmem>> -> memref<128x128xf32, #tpu.memory_space<vmem>>
      %dma_start3A_345 = arith.constant 0 : i32
      %dma_start3A_346 = tpu.memref_slice %arg4[%add3A_341, %dma_start3A_345] : memref<100000x128xf32, #tpu.memory_space<hbm>> -> memref<128x128xf32, #tpu.memory_space<hbm>>
      %dma_start3A_347 = arith.constant 0 : i32
      %dma_start3A_348 = tpu.memref_slice %arg4[%add3A_341, %dma_start3A_347] : memref<100000x128xf32, #tpu.memory_space<hbm>> -> memref<128x128xf32, #tpu.memory_space<hbm>>
      %dma_start3A_349 = arith.constant 0 : i32
      %dma_start3A_350 = arith.constant 0 : i32
      %dma_start3A_351 = tpu.memref_slice %arg7[%dma_start3A_349, %dma_start3A_350] : memref<128x128xf32, #tpu.memory_space<vmem>> -> memref<128x128xf32, #tpu.memory_space<vmem>>
      tpu.enqueue_dma source(%dma_start3A_351 : memref<128x128xf32, #tpu.memory_space<vmem>>) target(%dma_start3A_348 : memref<128x128xf32, #tpu.memory_space<hbm>>) target_semaphore(%arg11 : memref<!tpu.dma_semaphore, #tpu.memory_space<semaphore_mem>>)
      %dma_wait3A_352 = arith.constant 0 : i32
      %dma_wait3A_353 = arith.constant 0 : i32
      %dma_wait3A_354 = tpu.memref_slice %arg7[%dma_wait3A_352, %dma_wait3A_353] : memref<128x128xf32, #tpu.memory_space<vmem>> -> memref<128x128xf32, #tpu.memory_space<vmem>>
      %dma_wait3A_355 = arith.constant 0 : i32
      %dma_wait3A_356 = tpu.memref_slice %arg4[%add3A_341, %dma_wait3A_355] : memref<100000x128xf32, #tpu.memory_space<hbm>> -> memref<128x128xf32, #tpu.memory_space<hbm>>
      %dma_wait3A_357 = arith.constant 0 : i32
      %dma_wait3A_358 = tpu.memref_slice %arg4[%add3A_341, %dma_wait3A_357] : memref<100000x128xf32, #tpu.memory_space<hbm>> -> memref<128x128xf32, #tpu.memory_space<hbm>>
      %dma_wait3A_359 = arith.constant 0 : i32
      %dma_wait3A_360 = arith.constant 0 : i32
      %dma_wait3A_361 = tpu.memref_slice %arg7[%dma_wait3A_359, %dma_wait3A_360] : memref<128x128xf32, #tpu.memory_space<vmem>> -> memref<128x128xf32, #tpu.memory_space<vmem>>
      tpu.wait_dma2 semaphore(%arg11 : memref<!tpu.dma_semaphore, #tpu.memory_space<semaphore_mem>>) src(%dma_wait3A_361 : memref<128x128xf32, #tpu.memory_space<vmem>>) dst(%dma_wait3A_358 : memref<128x128xf32, #tpu.memory_space<hbm>>)
      %dma_start3A_362 = arith.constant 0 : i32
      %dma_start3A_363 = arith.constant 0 : i32
      %dma_start3A_364 = tpu.memref_slice %arg7[%dma_start3A_362, %dma_start3A_363] : memref<128x128xf32, #tpu.memory_space<vmem>> -> memref<128x128xf32, #tpu.memory_space<vmem>>
      %dma_start3A_365 = arith.constant 1280 : i32
      %dma_start3A_366 = tpu.memref_slice %arg5[%dma_start3A_365] : memref<3200xi32, #tpu.memory_space<vmem>> -> memref<128xi32, #tpu.memory_space<vmem>>
      %dma_start3A_367 = arith.constant 0 : i32
      %dma_start3A_368 = arith.constant 0 : i32
      %dma_start3A_369 = tpu.memref_slice %arg6[%dma_start3A_367, %dma_start3A_368] : memref<56x128xf32, #tpu.memory_space<vmem_shared>> -> memref<56x128xf32, #tpu.memory_space<vmem_shared>>
      tpu.enqueue_indirect_dma source(%dma_start3A_369 : memref<56x128xf32, #tpu.memory_space<vmem_shared>>) target(%dma_start3A_364 : memref<128x128xf32, #tpu.memory_space<vmem>>) offsets(%dma_start3A_366 : memref<128xi32, #tpu.memory_space<vmem>>) semaphore(%arg9 : memref<!tpu.dma_semaphore, #tpu.memory_space<semaphore_mem>>)
      %dma_wait3A_370 = arith.constant 0 : i32
      %dma_wait3A_371 = arith.constant 0 : i32
      %dma_wait3A_372 = tpu.memref_slice %arg8[%dma_wait3A_370, %dma_wait3A_371] : memref<128x128xf32, #tpu.memory_space<vmem>> -> memref<128x128xf32, #tpu.memory_space<vmem>>
      %dma_wait3A_373 = arith.constant 1152 : i32
      %dma_wait3A_374 = tpu.memref_slice %arg5[%dma_wait3A_373] : memref<3200xi32, #tpu.memory_space<vmem>> -> memref<128xi32, #tpu.memory_space<vmem>>
      %dma_wait3A_375 = arith.constant 0 : i32
      %dma_wait3A_376 = arith.constant 0 : i32
      %dma_wait3A_377 = tpu.memref_slice %arg6[%dma_wait3A_375, %dma_wait3A_376] : memref<56x128xf32, #tpu.memory_space<vmem_shared>> -> memref<56x128xf32, #tpu.memory_space<vmem_shared>>
      tpu.wait_indirect_dma semaphore(%arg10 : memref<!tpu.dma_semaphore, #tpu.memory_space<semaphore_mem>>) src(%dma_wait3A_377 : memref<56x128xf32, #tpu.memory_space<vmem_shared>>) dst(%dma_wait3A_372 : memref<128x128xf32, #tpu.memory_space<vmem>>)
      %add3A_378 = arith.constant 1152 : i32
      %add3A_379 = arith.addi %mul3A_2, %add3A_378 : i32
      %dma_start3A_380 = arith.constant 0 : i32
      %dma_start3A_381 = arith.constant 0 : i32
      %dma_start3A_382 = tpu.memref_slice %arg8[%dma_start3A_380, %dma_start3A_381] : memref<128x128xf32, #tpu.memory_space<vmem>> -> memref<128x128xf32, #tpu.memory_space<vmem>>
      %dma_start3A_383 = arith.constant 0 : i32
      %dma_start3A_384 = tpu.memref_slice %arg4[%add3A_379, %dma_start3A_383] : memref<100000x128xf32, #tpu.memory_space<hbm>> -> memref<128x128xf32, #tpu.memory_space<hbm>>
      %dma_start3A_385 = arith.constant 0 : i32
      %dma_start3A_386 = tpu.memref_slice %arg4[%add3A_379, %dma_start3A_385] : memref<100000x128xf32, #tpu.memory_space<hbm>> -> memref<128x128xf32, #tpu.memory_space<hbm>>
      %dma_start3A_387 = arith.constant 0 : i32
      %dma_start3A_388 = arith.constant 0 : i32
      %dma_start3A_389 = tpu.memref_slice %arg8[%dma_start3A_387, %dma_start3A_388] : memref<128x128xf32, #tpu.memory_space<vmem>> -> memref<128x128xf32, #tpu.memory_space<vmem>>
      tpu.enqueue_dma source(%dma_start3A_389 : memref<128x128xf32, #tpu.memory_space<vmem>>) target(%dma_start3A_386 : memref<128x128xf32, #tpu.memory_space<hbm>>) target_semaphore(%arg12 : memref<!tpu.dma_semaphore, #tpu.memory_space<semaphore_mem>>)
      %dma_wait3A_390 = arith.constant 0 : i32
      %dma_wait3A_391 = arith.constant 0 : i32
      %dma_wait3A_392 = tpu.memref_slice %arg8[%dma_wait3A_390, %dma_wait3A_391] : memref<128x128xf32, #tpu.memory_space<vmem>> -> memref<128x128xf32, #tpu.memory_space<vmem>>
      %dma_wait3A_393 = arith.constant 0 : i32
      %dma_wait3A_394 = tpu.memref_slice %arg4[%add3A_379, %dma_wait3A_393] : memref<100000x128xf32, #tpu.memory_space<hbm>> -> memref<128x128xf32, #tpu.memory_space<hbm>>
      %dma_wait3A_395 = arith.constant 0 : i32
      %dma_wait3A_396 = tpu.memref_slice %arg4[%add3A_379, %dma_wait3A_395] : memref<100000x128xf32, #tpu.memory_space<hbm>> -> memref<128x128xf32, #tpu.memory_space<hbm>>
      %dma_wait3A_397 = arith.constant 0 : i32
      %dma_wait3A_398 = arith.constant 0 : i32
      %dma_wait3A_399 = tpu.memref_slice %arg8[%dma_wait3A_397, %dma_wait3A_398] : memref<128x128xf32, #tpu.memory_space<vmem>> -> memref<128x128xf32, #tpu.memory_space<vmem>>
      tpu.wait_dma2 semaphore(%arg12 : memref<!tpu.dma_semaphore, #tpu.memory_space<semaphore_mem>>) src(%dma_wait3A_399 : memref<128x128xf32, #tpu.memory_space<vmem>>) dst(%dma_wait3A_396 : memref<128x128xf32, #tpu.memory_space<hbm>>)
      %dma_start3A_400 = arith.constant 0 : i32
      %dma_start3A_401 = arith.constant 0 : i32
      %dma_start3A_402 = tpu.memref_slice %arg8[%dma_start3A_400, %dma_start3A_401] : memref<128x128xf32, #tpu.memory_space<vmem>> -> memref<128x128xf32, #tpu.memory_space<vmem>>
      %dma_start3A_403 = arith.constant 1408 : i32
      %dma_start3A_404 = tpu.memref_slice %arg5[%dma_start3A_403] : memref<3200xi32, #tpu.memory_space<vmem>> -> memref<128xi32, #tpu.memory_space<vmem>>
      %dma_start3A_405 = arith.constant 0 : i32
      %dma_start3A_406 = arith.constant 0 : i32
      %dma_start3A_407 = tpu.memref_slice %arg6[%dma_start3A_405, %dma_start3A_406] : memref<56x128xf32, #tpu.memory_space<vmem_shared>> -> memref<56x128xf32, #tpu.memory_space<vmem_shared>>
      tpu.enqueue_indirect_dma source(%dma_start3A_407 : memref<56x128xf32, #tpu.memory_space<vmem_shared>>) target(%dma_start3A_402 : memref<128x128xf32, #tpu.memory_space<vmem>>) offsets(%dma_start3A_404 : memref<128xi32, #tpu.memory_space<vmem>>) semaphore(%arg10 : memref<!tpu.dma_semaphore, #tpu.memory_space<semaphore_mem>>)
      %dma_wait3A_408 = arith.constant 0 : i32
      %dma_wait3A_409 = arith.constant 0 : i32
      %dma_wait3A_410 = tpu.memref_slice %arg7[%dma_wait3A_408, %dma_wait3A_409] : memref<128x128xf32, #tpu.memory_space<vmem>> -> memref<128x128xf32, #tpu.memory_space<vmem>>
      %dma_wait3A_411 = arith.constant 1280 : i32
      %dma_wait3A_412 = tpu.memref_slice %arg5[%dma_wait3A_411] : memref<3200xi32, #tpu.memory_space<vmem>> -> memref<128xi32, #tpu.memory_space<vmem>>
      %dma_wait3A_413 = arith.constant 0 : i32
      %dma_wait3A_414 = arith.constant 0 : i32
      %dma_wait3A_415 = tpu.memref_slice %arg6[%dma_wait3A_413, %dma_wait3A_414] : memref<56x128xf32, #tpu.memory_space<vmem_shared>> -> memref<56x128xf32, #tpu.memory_space<vmem_shared>>
      tpu.wait_indirect_dma semaphore(%arg9 : memref<!tpu.dma_semaphore, #tpu.memory_space<semaphore_mem>>) src(%dma_wait3A_415 : memref<56x128xf32, #tpu.memory_space<vmem_shared>>) dst(%dma_wait3A_410 : memref<128x128xf32, #tpu.memory_space<vmem>>)
      %add3A_416 = arith.constant 1280 : i32
      %add3A_417 = arith.addi %mul3A_2, %add3A_416 : i32
      %dma_start3A_418 = arith.constant 0 : i32
      %dma_start3A_419 = arith.constant 0 : i32
      %dma_start3A_420 = tpu.memref_slice %arg7[%dma_start3A_418, %dma_start3A_419] : memref<128x128xf32, #tpu.memory_space<vmem>> -> memref<128x128xf32, #tpu.memory_space<vmem>>
      %dma_start3A_421 = arith.constant 0 : i32
      %dma_start3A_422 = tpu.memref_slice %arg4[%add3A_417, %dma_start3A_421] : memref<100000x128xf32, #tpu.memory_space<hbm>> -> memref<128x128xf32, #tpu.memory_space<hbm>>
      %dma_start3A_423 = arith.constant 0 : i32
      %dma_start3A_424 = tpu.memref_slice %arg4[%add3A_417, %dma_start3A_423] : memref<100000x128xf32, #tpu.memory_space<hbm>> -> memref<128x128xf32, #tpu.memory_space<hbm>>
      %dma_start3A_425 = arith.constant 0 : i32
      %dma_start3A_426 = arith.constant 0 : i32
      %dma_start3A_427 = tpu.memref_slice %arg7[%dma_start3A_425, %dma_start3A_426] : memref<128x128xf32, #tpu.memory_space<vmem>> -> memref<128x128xf32, #tpu.memory_space<vmem>>
      tpu.enqueue_dma source(%dma_start3A_427 : memref<128x128xf32, #tpu.memory_space<vmem>>) target(%dma_start3A_424 : memref<128x128xf32, #tpu.memory_space<hbm>>) target_semaphore(%arg11 : memref<!tpu.dma_semaphore, #tpu.memory_space<semaphore_mem>>)
      %dma_wait3A_428 = arith.constant 0 : i32
      %dma_wait3A_429 = arith.constant 0 : i32
      %dma_wait3A_430 = tpu.memref_slice %arg7[%dma_wait3A_428, %dma_wait3A_429] : memref<128x128xf32, #tpu.memory_space<vmem>> -> memref<128x128xf32, #tpu.memory_space<vmem>>
      %dma_wait3A_431 = arith.constant 0 : i32
      %dma_wait3A_432 = tpu.memref_slice %arg4[%add3A_417, %dma_wait3A_431] : memref<100000x128xf32, #tpu.memory_space<hbm>> -> memref<128x128xf32, #tpu.memory_space<hbm>>
      %dma_wait3A_433 = arith.constant 0 : i32
      %dma_wait3A_434 = tpu.memref_slice %arg4[%add3A_417, %dma_wait3A_433] : memref<100000x128xf32, #tpu.memory_space<hbm>> -> memref<128x128xf32, #tpu.memory_space<hbm>>
      %dma_wait3A_435 = arith.constant 0 : i32
      %dma_wait3A_436 = arith.constant 0 : i32
      %dma_wait3A_437 = tpu.memref_slice %arg7[%dma_wait3A_435, %dma_wait3A_436] : memref<128x128xf32, #tpu.memory_space<vmem>> -> memref<128x128xf32, #tpu.memory_space<vmem>>
      tpu.wait_dma2 semaphore(%arg11 : memref<!tpu.dma_semaphore, #tpu.memory_space<semaphore_mem>>) src(%dma_wait3A_437 : memref<128x128xf32, #tpu.memory_space<vmem>>) dst(%dma_wait3A_434 : memref<128x128xf32, #tpu.memory_space<hbm>>)
      %dma_start3A_438 = arith.constant 0 : i32
      %dma_start3A_439 = arith.constant 0 : i32
      %dma_start3A_440 = tpu.memref_slice %arg7[%dma_start3A_438, %dma_start3A_439] : memref<128x128xf32, #tpu.memory_space<vmem>> -> memref<128x128xf32, #tpu.memory_space<vmem>>
      %dma_start3A_441 = arith.constant 1536 : i32
      %dma_start3A_442 = tpu.memref_slice %arg5[%dma_start3A_441] : memref<3200xi32, #tpu.memory_space<vmem>> -> memref<128xi32, #tpu.memory_space<vmem>>
      %dma_start3A_443 = arith.constant 0 : i32
      %dma_start3A_444 = arith.constant 0 : i32
      %dma_start3A_445 = tpu.memref_slice %arg6[%dma_start3A_443, %dma_start3A_444] : memref<56x128xf32, #tpu.memory_space<vmem_shared>> -> memref<56x128xf32, #tpu.memory_space<vmem_shared>>
      tpu.enqueue_indirect_dma source(%dma_start3A_445 : memref<56x128xf32, #tpu.memory_space<vmem_shared>>) target(%dma_start3A_440 : memref<128x128xf32, #tpu.memory_space<vmem>>) offsets(%dma_start3A_442 : memref<128xi32, #tpu.memory_space<vmem>>) semaphore(%arg9 : memref<!tpu.dma_semaphore, #tpu.memory_space<semaphore_mem>>)
      %dma_wait3A_446 = arith.constant 0 : i32
      %dma_wait3A_447 = arith.constant 0 : i32
      %dma_wait3A_448 = tpu.memref_slice %arg8[%dma_wait3A_446, %dma_wait3A_447] : memref<128x128xf32, #tpu.memory_space<vmem>> -> memref<128x128xf32, #tpu.memory_space<vmem>>
      %dma_wait3A_449 = arith.constant 1408 : i32
      %dma_wait3A_450 = tpu.memref_slice %arg5[%dma_wait3A_449] : memref<3200xi32, #tpu.memory_space<vmem>> -> memref<128xi32, #tpu.memory_space<vmem>>
      %dma_wait3A_451 = arith.constant 0 : i32
      %dma_wait3A_452 = arith.constant 0 : i32
      %dma_wait3A_453 = tpu.memref_slice %arg6[%dma_wait3A_451, %dma_wait3A_452] : memref<56x128xf32, #tpu.memory_space<vmem_shared>> -> memref<56x128xf32, #tpu.memory_space<vmem_shared>>
      tpu.wait_indirect_dma semaphore(%arg10 : memref<!tpu.dma_semaphore, #tpu.memory_space<semaphore_mem>>) src(%dma_wait3A_453 : memref<56x128xf32, #tpu.memory_space<vmem_shared>>) dst(%dma_wait3A_448 : memref<128x128xf32, #tpu.memory_space<vmem>>)
      %add3A_454 = arith.constant 1408 : i32
      %add3A_455 = arith.addi %mul3A_2, %add3A_454 : i32
      %dma_start3A_456 = arith.constant 0 : i32
      %dma_start3A_457 = arith.constant 0 : i32
      %dma_start3A_458 = tpu.memref_slice %arg8[%dma_start3A_456, %dma_start3A_457] : memref<128x128xf32, #tpu.memory_space<vmem>> -> memref<128x128xf32, #tpu.memory_space<vmem>>
      %dma_start3A_459 = arith.constant 0 : i32
      %dma_start3A_460 = tpu.memref_slice %arg4[%add3A_455, %dma_start3A_459] : memref<100000x128xf32, #tpu.memory_space<hbm>> -> memref<128x128xf32, #tpu.memory_space<hbm>>
      %dma_start3A_461 = arith.constant 0 : i32
      %dma_start3A_462 = tpu.memref_slice %arg4[%add3A_455, %dma_start3A_461] : memref<100000x128xf32, #tpu.memory_space<hbm>> -> memref<128x128xf32, #tpu.memory_space<hbm>>
      %dma_start3A_463 = arith.constant 0 : i32
      %dma_start3A_464 = arith.constant 0 : i32
      %dma_start3A_465 = tpu.memref_slice %arg8[%dma_start3A_463, %dma_start3A_464] : memref<128x128xf32, #tpu.memory_space<vmem>> -> memref<128x128xf32, #tpu.memory_space<vmem>>
      tpu.enqueue_dma source(%dma_start3A_465 : memref<128x128xf32, #tpu.memory_space<vmem>>) target(%dma_start3A_462 : memref<128x128xf32, #tpu.memory_space<hbm>>) target_semaphore(%arg12 : memref<!tpu.dma_semaphore, #tpu.memory_space<semaphore_mem>>)
      %dma_wait3A_466 = arith.constant 0 : i32
      %dma_wait3A_467 = arith.constant 0 : i32
      %dma_wait3A_468 = tpu.memref_slice %arg8[%dma_wait3A_466, %dma_wait3A_467] : memref<128x128xf32, #tpu.memory_space<vmem>> -> memref<128x128xf32, #tpu.memory_space<vmem>>
      %dma_wait3A_469 = arith.constant 0 : i32
      %dma_wait3A_470 = tpu.memref_slice %arg4[%add3A_455, %dma_wait3A_469] : memref<100000x128xf32, #tpu.memory_space<hbm>> -> memref<128x128xf32, #tpu.memory_space<hbm>>
      %dma_wait3A_471 = arith.constant 0 : i32
      %dma_wait3A_472 = tpu.memref_slice %arg4[%add3A_455, %dma_wait3A_471] : memref<100000x128xf32, #tpu.memory_space<hbm>> -> memref<128x128xf32, #tpu.memory_space<hbm>>
      %dma_wait3A_473 = arith.constant 0 : i32
      %dma_wait3A_474 = arith.constant 0 : i32
      %dma_wait3A_475 = tpu.memref_slice %arg8[%dma_wait3A_473, %dma_wait3A_474] : memref<128x128xf32, #tpu.memory_space<vmem>> -> memref<128x128xf32, #tpu.memory_space<vmem>>
      tpu.wait_dma2 semaphore(%arg12 : memref<!tpu.dma_semaphore, #tpu.memory_space<semaphore_mem>>) src(%dma_wait3A_475 : memref<128x128xf32, #tpu.memory_space<vmem>>) dst(%dma_wait3A_472 : memref<128x128xf32, #tpu.memory_space<hbm>>)
      %dma_start3A_476 = arith.constant 0 : i32
      %dma_start3A_477 = arith.constant 0 : i32
      %dma_start3A_478 = tpu.memref_slice %arg8[%dma_start3A_476, %dma_start3A_477] : memref<128x128xf32, #tpu.memory_space<vmem>> -> memref<128x128xf32, #tpu.memory_space<vmem>>
      %dma_start3A_479 = arith.constant 1664 : i32
      %dma_start3A_480 = tpu.memref_slice %arg5[%dma_start3A_479] : memref<3200xi32, #tpu.memory_space<vmem>> -> memref<128xi32, #tpu.memory_space<vmem>>
      %dma_start3A_481 = arith.constant 0 : i32
      %dma_start3A_482 = arith.constant 0 : i32
      %dma_start3A_483 = tpu.memref_slice %arg6[%dma_start3A_481, %dma_start3A_482] : memref<56x128xf32, #tpu.memory_space<vmem_shared>> -> memref<56x128xf32, #tpu.memory_space<vmem_shared>>
      tpu.enqueue_indirect_dma source(%dma_start3A_483 : memref<56x128xf32, #tpu.memory_space<vmem_shared>>) target(%dma_start3A_478 : memref<128x128xf32, #tpu.memory_space<vmem>>) offsets(%dma_start3A_480 : memref<128xi32, #tpu.memory_space<vmem>>) semaphore(%arg10 : memref<!tpu.dma_semaphore, #tpu.memory_space<semaphore_mem>>)
      %dma_wait3A_484 = arith.constant 0 : i32
      %dma_wait3A_485 = arith.constant 0 : i32
      %dma_wait3A_486 = tpu.memref_slice %arg7[%dma_wait3A_484, %dma_wait3A_485] : memref<128x128xf32, #tpu.memory_space<vmem>> -> memref<128x128xf32, #tpu.memory_space<vmem>>
      %dma_wait3A_487 = arith.constant 1536 : i32
      %dma_wait3A_488 = tpu.memref_slice %arg5[%dma_wait3A_487] : memref<3200xi32, #tpu.memory_space<vmem>> -> memref<128xi32, #tpu.memory_space<vmem>>
      %dma_wait3A_489 = arith.constant 0 : i32
      %dma_wait3A_490 = arith.constant 0 : i32
      %dma_wait3A_491 = tpu.memref_slice %arg6[%dma_wait3A_489, %dma_wait3A_490] : memref<56x128xf32, #tpu.memory_space<vmem_shared>> -> memref<56x128xf32, #tpu.memory_space<vmem_shared>>
      tpu.wait_indirect_dma semaphore(%arg9 : memref<!tpu.dma_semaphore, #tpu.memory_space<semaphore_mem>>) src(%dma_wait3A_491 : memref<56x128xf32, #tpu.memory_space<vmem_shared>>) dst(%dma_wait3A_486 : memref<128x128xf32, #tpu.memory_space<vmem>>)
      %add3A_492 = arith.constant 1536 : i32
      %add3A_493 = arith.addi %mul3A_2, %add3A_492 : i32
      %dma_start3A_494 = arith.constant 0 : i32
      %dma_start3A_495 = arith.constant 0 : i32
      %dma_start3A_496 = tpu.memref_slice %arg7[%dma_start3A_494, %dma_start3A_495] : memref<128x128xf32, #tpu.memory_space<vmem>> -> memref<128x128xf32, #tpu.memory_space<vmem>>
      %dma_start3A_497 = arith.constant 0 : i32
      %dma_start3A_498 = tpu.memref_slice %arg4[%add3A_493, %dma_start3A_497] : memref<100000x128xf32, #tpu.memory_space<hbm>> -> memref<128x128xf32, #tpu.memory_space<hbm>>
      %dma_start3A_499 = arith.constant 0 : i32
      %dma_start3A_500 = tpu.memref_slice %arg4[%add3A_493, %dma_start3A_499] : memref<100000x128xf32, #tpu.memory_space<hbm>> -> memref<128x128xf32, #tpu.memory_space<hbm>>
      %dma_start3A_501 = arith.constant 0 : i32
      %dma_start3A_502 = arith.constant 0 : i32
      %dma_start3A_503 = tpu.memref_slice %arg7[%dma_start3A_501, %dma_start3A_502] : memref<128x128xf32, #tpu.memory_space<vmem>> -> memref<128x128xf32, #tpu.memory_space<vmem>>
      tpu.enqueue_dma source(%dma_start3A_503 : memref<128x128xf32, #tpu.memory_space<vmem>>) target(%dma_start3A_500 : memref<128x128xf32, #tpu.memory_space<hbm>>) target_semaphore(%arg11 : memref<!tpu.dma_semaphore, #tpu.memory_space<semaphore_mem>>)
      %dma_wait3A_504 = arith.constant 0 : i32
      %dma_wait3A_505 = arith.constant 0 : i32
      %dma_wait3A_506 = tpu.memref_slice %arg7[%dma_wait3A_504, %dma_wait3A_505] : memref<128x128xf32, #tpu.memory_space<vmem>> -> memref<128x128xf32, #tpu.memory_space<vmem>>
      %dma_wait3A_507 = arith.constant 0 : i32
      %dma_wait3A_508 = tpu.memref_slice %arg4[%add3A_493, %dma_wait3A_507] : memref<100000x128xf32, #tpu.memory_space<hbm>> -> memref<128x128xf32, #tpu.memory_space<hbm>>
      %dma_wait3A_509 = arith.constant 0 : i32
      %dma_wait3A_510 = tpu.memref_slice %arg4[%add3A_493, %dma_wait3A_509] : memref<100000x128xf32, #tpu.memory_space<hbm>> -> memref<128x128xf32, #tpu.memory_space<hbm>>
      %dma_wait3A_511 = arith.constant 0 : i32
      %dma_wait3A_512 = arith.constant 0 : i32
      %dma_wait3A_513 = tpu.memref_slice %arg7[%dma_wait3A_511, %dma_wait3A_512] : memref<128x128xf32, #tpu.memory_space<vmem>> -> memref<128x128xf32, #tpu.memory_space<vmem>>
      tpu.wait_dma2 semaphore(%arg11 : memref<!tpu.dma_semaphore, #tpu.memory_space<semaphore_mem>>) src(%dma_wait3A_513 : memref<128x128xf32, #tpu.memory_space<vmem>>) dst(%dma_wait3A_510 : memref<128x128xf32, #tpu.memory_space<hbm>>)
      %dma_start3A_514 = arith.constant 0 : i32
      %dma_start3A_515 = arith.constant 0 : i32
      %dma_start3A_516 = tpu.memref_slice %arg7[%dma_start3A_514, %dma_start3A_515] : memref<128x128xf32, #tpu.memory_space<vmem>> -> memref<128x128xf32, #tpu.memory_space<vmem>>
      %dma_start3A_517 = arith.constant 1792 : i32
      %dma_start3A_518 = tpu.memref_slice %arg5[%dma_start3A_517] : memref<3200xi32, #tpu.memory_space<vmem>> -> memref<128xi32, #tpu.memory_space<vmem>>
      %dma_start3A_519 = arith.constant 0 : i32
      %dma_start3A_520 = arith.constant 0 : i32
      %dma_start3A_521 = tpu.memref_slice %arg6[%dma_start3A_519, %dma_start3A_520] : memref<56x128xf32, #tpu.memory_space<vmem_shared>> -> memref<56x128xf32, #tpu.memory_space<vmem_shared>>
      tpu.enqueue_indirect_dma source(%dma_start3A_521 : memref<56x128xf32, #tpu.memory_space<vmem_shared>>) target(%dma_start3A_516 : memref<128x128xf32, #tpu.memory_space<vmem>>) offsets(%dma_start3A_518 : memref<128xi32, #tpu.memory_space<vmem>>) semaphore(%arg9 : memref<!tpu.dma_semaphore, #tpu.memory_space<semaphore_mem>>)
      %dma_wait3A_522 = arith.constant 0 : i32
      %dma_wait3A_523 = arith.constant 0 : i32
      %dma_wait3A_524 = tpu.memref_slice %arg8[%dma_wait3A_522, %dma_wait3A_523] : memref<128x128xf32, #tpu.memory_space<vmem>> -> memref<128x128xf32, #tpu.memory_space<vmem>>
      %dma_wait3A_525 = arith.constant 1664 : i32
      %dma_wait3A_526 = tpu.memref_slice %arg5[%dma_wait3A_525] : memref<3200xi32, #tpu.memory_space<vmem>> -> memref<128xi32, #tpu.memory_space<vmem>>
      %dma_wait3A_527 = arith.constant 0 : i32
      %dma_wait3A_528 = arith.constant 0 : i32
      %dma_wait3A_529 = tpu.memref_slice %arg6[%dma_wait3A_527, %dma_wait3A_528] : memref<56x128xf32, #tpu.memory_space<vmem_shared>> -> memref<56x128xf32, #tpu.memory_space<vmem_shared>>
      tpu.wait_indirect_dma semaphore(%arg10 : memref<!tpu.dma_semaphore, #tpu.memory_space<semaphore_mem>>) src(%dma_wait3A_529 : memref<56x128xf32, #tpu.memory_space<vmem_shared>>) dst(%dma_wait3A_524 : memref<128x128xf32, #tpu.memory_space<vmem>>)
      %add3A_530 = arith.constant 1664 : i32
      %add3A_531 = arith.addi %mul3A_2, %add3A_530 : i32
      %dma_start3A_532 = arith.constant 0 : i32
      %dma_start3A_533 = arith.constant 0 : i32
      %dma_start3A_534 = tpu.memref_slice %arg8[%dma_start3A_532, %dma_start3A_533] : memref<128x128xf32, #tpu.memory_space<vmem>> -> memref<128x128xf32, #tpu.memory_space<vmem>>
      %dma_start3A_535 = arith.constant 0 : i32
      %dma_start3A_536 = tpu.memref_slice %arg4[%add3A_531, %dma_start3A_535] : memref<100000x128xf32, #tpu.memory_space<hbm>> -> memref<128x128xf32, #tpu.memory_space<hbm>>
      %dma_start3A_537 = arith.constant 0 : i32
      %dma_start3A_538 = tpu.memref_slice %arg4[%add3A_531, %dma_start3A_537] : memref<100000x128xf32, #tpu.memory_space<hbm>> -> memref<128x128xf32, #tpu.memory_space<hbm>>
      %dma_start3A_539 = arith.constant 0 : i32
      %dma_start3A_540 = arith.constant 0 : i32
      %dma_start3A_541 = tpu.memref_slice %arg8[%dma_start3A_539, %dma_start3A_540] : memref<128x128xf32, #tpu.memory_space<vmem>> -> memref<128x128xf32, #tpu.memory_space<vmem>>
      tpu.enqueue_dma source(%dma_start3A_541 : memref<128x128xf32, #tpu.memory_space<vmem>>) target(%dma_start3A_538 : memref<128x128xf32, #tpu.memory_space<hbm>>) target_semaphore(%arg12 : memref<!tpu.dma_semaphore, #tpu.memory_space<semaphore_mem>>)
      %dma_wait3A_542 = arith.constant 0 : i32
      %dma_wait3A_543 = arith.constant 0 : i32
      %dma_wait3A_544 = tpu.memref_slice %arg8[%dma_wait3A_542, %dma_wait3A_543] : memref<128x128xf32, #tpu.memory_space<vmem>> -> memref<128x128xf32, #tpu.memory_space<vmem>>
      %dma_wait3A_545 = arith.constant 0 : i32
      %dma_wait3A_546 = tpu.memref_slice %arg4[%add3A_531, %dma_wait3A_545] : memref<100000x128xf32, #tpu.memory_space<hbm>> -> memref<128x128xf32, #tpu.memory_space<hbm>>
      %dma_wait3A_547 = arith.constant 0 : i32
      %dma_wait3A_548 = tpu.memref_slice %arg4[%add3A_531, %dma_wait3A_547] : memref<100000x128xf32, #tpu.memory_space<hbm>> -> memref<128x128xf32, #tpu.memory_space<hbm>>
      %dma_wait3A_549 = arith.constant 0 : i32
      %dma_wait3A_550 = arith.constant 0 : i32
      %dma_wait3A_551 = tpu.memref_slice %arg8[%dma_wait3A_549, %dma_wait3A_550] : memref<128x128xf32, #tpu.memory_space<vmem>> -> memref<128x128xf32, #tpu.memory_space<vmem>>
      tpu.wait_dma2 semaphore(%arg12 : memref<!tpu.dma_semaphore, #tpu.memory_space<semaphore_mem>>) src(%dma_wait3A_551 : memref<128x128xf32, #tpu.memory_space<vmem>>) dst(%dma_wait3A_548 : memref<128x128xf32, #tpu.memory_space<hbm>>)
      %dma_start3A_552 = arith.constant 0 : i32
      %dma_start3A_553 = arith.constant 0 : i32
      %dma_start3A_554 = tpu.memref_slice %arg8[%dma_start3A_552, %dma_start3A_553] : memref<128x128xf32, #tpu.memory_space<vmem>> -> memref<128x128xf32, #tpu.memory_space<vmem>>
      %dma_start3A_555 = arith.constant 1920 : i32
      %dma_start3A_556 = tpu.memref_slice %arg5[%dma_start3A_555] : memref<3200xi32, #tpu.memory_space<vmem>> -> memref<128xi32, #tpu.memory_space<vmem>>
      %dma_start3A_557 = arith.constant 0 : i32
      %dma_start3A_558 = arith.constant 0 : i32
      %dma_start3A_559 = tpu.memref_slice %arg6[%dma_start3A_557, %dma_start3A_558] : memref<56x128xf32, #tpu.memory_space<vmem_shared>> -> memref<56x128xf32, #tpu.memory_space<vmem_shared>>
      tpu.enqueue_indirect_dma source(%dma_start3A_559 : memref<56x128xf32, #tpu.memory_space<vmem_shared>>) target(%dma_start3A_554 : memref<128x128xf32, #tpu.memory_space<vmem>>) offsets(%dma_start3A_556 : memref<128xi32, #tpu.memory_space<vmem>>) semaphore(%arg10 : memref<!tpu.dma_semaphore, #tpu.memory_space<semaphore_mem>>)
      %dma_wait3A_560 = arith.constant 0 : i32
      %dma_wait3A_561 = arith.constant 0 : i32
      %dma_wait3A_562 = tpu.memref_slice %arg7[%dma_wait3A_560, %dma_wait3A_561] : memref<128x128xf32, #tpu.memory_space<vmem>> -> memref<128x128xf32, #tpu.memory_space<vmem>>
      %dma_wait3A_563 = arith.constant 1792 : i32
      %dma_wait3A_564 = tpu.memref_slice %arg5[%dma_wait3A_563] : memref<3200xi32, #tpu.memory_space<vmem>> -> memref<128xi32, #tpu.memory_space<vmem>>
      %dma_wait3A_565 = arith.constant 0 : i32
      %dma_wait3A_566 = arith.constant 0 : i32
      %dma_wait3A_567 = tpu.memref_slice %arg6[%dma_wait3A_565, %dma_wait3A_566] : memref<56x128xf32, #tpu.memory_space<vmem_shared>> -> memref<56x128xf32, #tpu.memory_space<vmem_shared>>
      tpu.wait_indirect_dma semaphore(%arg9 : memref<!tpu.dma_semaphore, #tpu.memory_space<semaphore_mem>>) src(%dma_wait3A_567 : memref<56x128xf32, #tpu.memory_space<vmem_shared>>) dst(%dma_wait3A_562 : memref<128x128xf32, #tpu.memory_space<vmem>>)
      %add3A_568 = arith.constant 1792 : i32
      %add3A_569 = arith.addi %mul3A_2, %add3A_568 : i32
      %dma_start3A_570 = arith.constant 0 : i32
      %dma_start3A_571 = arith.constant 0 : i32
      %dma_start3A_572 = tpu.memref_slice %arg7[%dma_start3A_570, %dma_start3A_571] : memref<128x128xf32, #tpu.memory_space<vmem>> -> memref<128x128xf32, #tpu.memory_space<vmem>>
      %dma_start3A_573 = arith.constant 0 : i32
      %dma_start3A_574 = tpu.memref_slice %arg4[%add3A_569, %dma_start3A_573] : memref<100000x128xf32, #tpu.memory_space<hbm>> -> memref<128x128xf32, #tpu.memory_space<hbm>>
      %dma_start3A_575 = arith.constant 0 : i32
      %dma_start3A_576 = tpu.memref_slice %arg4[%add3A_569, %dma_start3A_575] : memref<100000x128xf32, #tpu.memory_space<hbm>> -> memref<128x128xf32, #tpu.memory_space<hbm>>
      %dma_start3A_577 = arith.constant 0 : i32
      %dma_start3A_578 = arith.constant 0 : i32
      %dma_start3A_579 = tpu.memref_slice %arg7[%dma_start3A_577, %dma_start3A_578] : memref<128x128xf32, #tpu.memory_space<vmem>> -> memref<128x128xf32, #tpu.memory_space<vmem>>
      tpu.enqueue_dma source(%dma_start3A_579 : memref<128x128xf32, #tpu.memory_space<vmem>>) target(%dma_start3A_576 : memref<128x128xf32, #tpu.memory_space<hbm>>) target_semaphore(%arg11 : memref<!tpu.dma_semaphore, #tpu.memory_space<semaphore_mem>>)
      %dma_wait3A_580 = arith.constant 0 : i32
      %dma_wait3A_581 = arith.constant 0 : i32
      %dma_wait3A_582 = tpu.memref_slice %arg7[%dma_wait3A_580, %dma_wait3A_581] : memref<128x128xf32, #tpu.memory_space<vmem>> -> memref<128x128xf32, #tpu.memory_space<vmem>>
      %dma_wait3A_583 = arith.constant 0 : i32
      %dma_wait3A_584 = tpu.memref_slice %arg4[%add3A_569, %dma_wait3A_583] : memref<100000x128xf32, #tpu.memory_space<hbm>> -> memref<128x128xf32, #tpu.memory_space<hbm>>
      %dma_wait3A_585 = arith.constant 0 : i32
      %dma_wait3A_586 = tpu.memref_slice %arg4[%add3A_569, %dma_wait3A_585] : memref<100000x128xf32, #tpu.memory_space<hbm>> -> memref<128x128xf32, #tpu.memory_space<hbm>>
      %dma_wait3A_587 = arith.constant 0 : i32
      %dma_wait3A_588 = arith.constant 0 : i32
      %dma_wait3A_589 = tpu.memref_slice %arg7[%dma_wait3A_587, %dma_wait3A_588] : memref<128x128xf32, #tpu.memory_space<vmem>> -> memref<128x128xf32, #tpu.memory_space<vmem>>
      tpu.wait_dma2 semaphore(%arg11 : memref<!tpu.dma_semaphore, #tpu.memory_space<semaphore_mem>>) src(%dma_wait3A_589 : memref<128x128xf32, #tpu.memory_space<vmem>>) dst(%dma_wait3A_586 : memref<128x128xf32, #tpu.memory_space<hbm>>)
      %dma_start3A_590 = arith.constant 0 : i32
      %dma_start3A_591 = arith.constant 0 : i32
      %dma_start3A_592 = tpu.memref_slice %arg7[%dma_start3A_590, %dma_start3A_591] : memref<128x128xf32, #tpu.memory_space<vmem>> -> memref<128x128xf32, #tpu.memory_space<vmem>>
      %dma_start3A_593 = arith.constant 2048 : i32
      %dma_start3A_594 = tpu.memref_slice %arg5[%dma_start3A_593] : memref<3200xi32, #tpu.memory_space<vmem>> -> memref<128xi32, #tpu.memory_space<vmem>>
      %dma_start3A_595 = arith.constant 0 : i32
      %dma_start3A_596 = arith.constant 0 : i32
      %dma_start3A_597 = tpu.memref_slice %arg6[%dma_start3A_595, %dma_start3A_596] : memref<56x128xf32, #tpu.memory_space<vmem_shared>> -> memref<56x128xf32, #tpu.memory_space<vmem_shared>>
      tpu.enqueue_indirect_dma source(%dma_start3A_597 : memref<56x128xf32, #tpu.memory_space<vmem_shared>>) target(%dma_start3A_592 : memref<128x128xf32, #tpu.memory_space<vmem>>) offsets(%dma_start3A_594 : memref<128xi32, #tpu.memory_space<vmem>>) semaphore(%arg9 : memref<!tpu.dma_semaphore, #tpu.memory_space<semaphore_mem>>)
      %dma_wait3A_598 = arith.constant 0 : i32
      %dma_wait3A_599 = arith.constant 0 : i32
      %dma_wait3A_600 = tpu.memref_slice %arg8[%dma_wait3A_598, %dma_wait3A_599] : memref<128x128xf32, #tpu.memory_space<vmem>> -> memref<128x128xf32, #tpu.memory_space<vmem>>
      %dma_wait3A_601 = arith.constant 1920 : i32
      %dma_wait3A_602 = tpu.memref_slice %arg5[%dma_wait3A_601] : memref<3200xi32, #tpu.memory_space<vmem>> -> memref<128xi32, #tpu.memory_space<vmem>>
      %dma_wait3A_603 = arith.constant 0 : i32
      %dma_wait3A_604 = arith.constant 0 : i32
      %dma_wait3A_605 = tpu.memref_slice %arg6[%dma_wait3A_603, %dma_wait3A_604] : memref<56x128xf32, #tpu.memory_space<vmem_shared>> -> memref<56x128xf32, #tpu.memory_space<vmem_shared>>
      tpu.wait_indirect_dma semaphore(%arg10 : memref<!tpu.dma_semaphore, #tpu.memory_space<semaphore_mem>>) src(%dma_wait3A_605 : memref<56x128xf32, #tpu.memory_space<vmem_shared>>) dst(%dma_wait3A_600 : memref<128x128xf32, #tpu.memory_space<vmem>>)
      %add3A_606 = arith.constant 1920 : i32
      %add3A_607 = arith.addi %mul3A_2, %add3A_606 : i32
      %dma_start3A_608 = arith.constant 0 : i32
      %dma_start3A_609 = arith.constant 0 : i32
      %dma_start3A_610 = tpu.memref_slice %arg8[%dma_start3A_608, %dma_start3A_609] : memref<128x128xf32, #tpu.memory_space<vmem>> -> memref<128x128xf32, #tpu.memory_space<vmem>>
      %dma_start3A_611 = arith.constant 0 : i32
      %dma_start3A_612 = tpu.memref_slice %arg4[%add3A_607, %dma_start3A_611] : memref<100000x128xf32, #tpu.memory_space<hbm>> -> memref<128x128xf32, #tpu.memory_space<hbm>>
      %dma_start3A_613 = arith.constant 0 : i32
      %dma_start3A_614 = tpu.memref_slice %arg4[%add3A_607, %dma_start3A_613] : memref<100000x128xf32, #tpu.memory_space<hbm>> -> memref<128x128xf32, #tpu.memory_space<hbm>>
      %dma_start3A_615 = arith.constant 0 : i32
      %dma_start3A_616 = arith.constant 0 : i32
      %dma_start3A_617 = tpu.memref_slice %arg8[%dma_start3A_615, %dma_start3A_616] : memref<128x128xf32, #tpu.memory_space<vmem>> -> memref<128x128xf32, #tpu.memory_space<vmem>>
      tpu.enqueue_dma source(%dma_start3A_617 : memref<128x128xf32, #tpu.memory_space<vmem>>) target(%dma_start3A_614 : memref<128x128xf32, #tpu.memory_space<hbm>>) target_semaphore(%arg12 : memref<!tpu.dma_semaphore, #tpu.memory_space<semaphore_mem>>)
      %dma_wait3A_618 = arith.constant 0 : i32
      %dma_wait3A_619 = arith.constant 0 : i32
      %dma_wait3A_620 = tpu.memref_slice %arg8[%dma_wait3A_618, %dma_wait3A_619] : memref<128x128xf32, #tpu.memory_space<vmem>> -> memref<128x128xf32, #tpu.memory_space<vmem>>
      %dma_wait3A_621 = arith.constant 0 : i32
      %dma_wait3A_622 = tpu.memref_slice %arg4[%add3A_607, %dma_wait3A_621] : memref<100000x128xf32, #tpu.memory_space<hbm>> -> memref<128x128xf32, #tpu.memory_space<hbm>>
      %dma_wait3A_623 = arith.constant 0 : i32
      %dma_wait3A_624 = tpu.memref_slice %arg4[%add3A_607, %dma_wait3A_623] : memref<100000x128xf32, #tpu.memory_space<hbm>> -> memref<128x128xf32, #tpu.memory_space<hbm>>
      %dma_wait3A_625 = arith.constant 0 : i32
      %dma_wait3A_626 = arith.constant 0 : i32
      %dma_wait3A_627 = tpu.memref_slice %arg8[%dma_wait3A_625, %dma_wait3A_626] : memref<128x128xf32, #tpu.memory_space<vmem>> -> memref<128x128xf32, #tpu.memory_space<vmem>>
      tpu.wait_dma2 semaphore(%arg12 : memref<!tpu.dma_semaphore, #tpu.memory_space<semaphore_mem>>) src(%dma_wait3A_627 : memref<128x128xf32, #tpu.memory_space<vmem>>) dst(%dma_wait3A_624 : memref<128x128xf32, #tpu.memory_space<hbm>>)
      %dma_start3A_628 = arith.constant 0 : i32
      %dma_start3A_629 = arith.constant 0 : i32
      %dma_start3A_630 = tpu.memref_slice %arg8[%dma_start3A_628, %dma_start3A_629] : memref<128x128xf32, #tpu.memory_space<vmem>> -> memref<128x128xf32, #tpu.memory_space<vmem>>
      %dma_start3A_631 = arith.constant 2176 : i32
      %dma_start3A_632 = tpu.memref_slice %arg5[%dma_start3A_631] : memref<3200xi32, #tpu.memory_space<vmem>> -> memref<128xi32, #tpu.memory_space<vmem>>
      %dma_start3A_633 = arith.constant 0 : i32
      %dma_start3A_634 = arith.constant 0 : i32
      %dma_start3A_635 = tpu.memref_slice %arg6[%dma_start3A_633, %dma_start3A_634] : memref<56x128xf32, #tpu.memory_space<vmem_shared>> -> memref<56x128xf32, #tpu.memory_space<vmem_shared>>
      tpu.enqueue_indirect_dma source(%dma_start3A_635 : memref<56x128xf32, #tpu.memory_space<vmem_shared>>) target(%dma_start3A_630 : memref<128x128xf32, #tpu.memory_space<vmem>>) offsets(%dma_start3A_632 : memref<128xi32, #tpu.memory_space<vmem>>) semaphore(%arg10 : memref<!tpu.dma_semaphore, #tpu.memory_space<semaphore_mem>>)
      %dma_wait3A_636 = arith.constant 0 : i32
      %dma_wait3A_637 = arith.constant 0 : i32
      %dma_wait3A_638 = tpu.memref_slice %arg7[%dma_wait3A_636, %dma_wait3A_637] : memref<128x128xf32, #tpu.memory_space<vmem>> -> memref<128x128xf32, #tpu.memory_space<vmem>>
      %dma_wait3A_639 = arith.constant 2048 : i32
      %dma_wait3A_640 = tpu.memref_slice %arg5[%dma_wait3A_639] : memref<3200xi32, #tpu.memory_space<vmem>> -> memref<128xi32, #tpu.memory_space<vmem>>
      %dma_wait3A_641 = arith.constant 0 : i32
      %dma_wait3A_642 = arith.constant 0 : i32
      %dma_wait3A_643 = tpu.memref_slice %arg6[%dma_wait3A_641, %dma_wait3A_642] : memref<56x128xf32, #tpu.memory_space<vmem_shared>> -> memref<56x128xf32, #tpu.memory_space<vmem_shared>>
      tpu.wait_indirect_dma semaphore(%arg9 : memref<!tpu.dma_semaphore, #tpu.memory_space<semaphore_mem>>) src(%dma_wait3A_643 : memref<56x128xf32, #tpu.memory_space<vmem_shared>>) dst(%dma_wait3A_638 : memref<128x128xf32, #tpu.memory_space<vmem>>)
      %add3A_644 = arith.constant 2048 : i32
      %add3A_645 = arith.addi %mul3A_2, %add3A_644 : i32
      %dma_start3A_646 = arith.constant 0 : i32
      %dma_start3A_647 = arith.constant 0 : i32
      %dma_start3A_648 = tpu.memref_slice %arg7[%dma_start3A_646, %dma_start3A_647] : memref<128x128xf32, #tpu.memory_space<vmem>> -> memref<128x128xf32, #tpu.memory_space<vmem>>
      %dma_start3A_649 = arith.constant 0 : i32
      %dma_start3A_650 = tpu.memref_slice %arg4[%add3A_645, %dma_start3A_649] : memref<100000x128xf32, #tpu.memory_space<hbm>> -> memref<128x128xf32, #tpu.memory_space<hbm>>
      %dma_start3A_651 = arith.constant 0 : i32
      %dma_start3A_652 = tpu.memref_slice %arg4[%add3A_645, %dma_start3A_651] : memref<100000x128xf32, #tpu.memory_space<hbm>> -> memref<128x128xf32, #tpu.memory_space<hbm>>
      %dma_start3A_653 = arith.constant 0 : i32
      %dma_start3A_654 = arith.constant 0 : i32
      %dma_start3A_655 = tpu.memref_slice %arg7[%dma_start3A_653, %dma_start3A_654] : memref<128x128xf32, #tpu.memory_space<vmem>> -> memref<128x128xf32, #tpu.memory_space<vmem>>
      tpu.enqueue_dma source(%dma_start3A_655 : memref<128x128xf32, #tpu.memory_space<vmem>>) target(%dma_start3A_652 : memref<128x128xf32, #tpu.memory_space<hbm>>) target_semaphore(%arg11 : memref<!tpu.dma_semaphore, #tpu.memory_space<semaphore_mem>>)
      %dma_wait3A_656 = arith.constant 0 : i32
      %dma_wait3A_657 = arith.constant 0 : i32
      %dma_wait3A_658 = tpu.memref_slice %arg7[%dma_wait3A_656, %dma_wait3A_657] : memref<128x128xf32, #tpu.memory_space<vmem>> -> memref<128x128xf32, #tpu.memory_space<vmem>>
      %dma_wait3A_659 = arith.constant 0 : i32
      %dma_wait3A_660 = tpu.memref_slice %arg4[%add3A_645, %dma_wait3A_659] : memref<100000x128xf32, #tpu.memory_space<hbm>> -> memref<128x128xf32, #tpu.memory_space<hbm>>
      %dma_wait3A_661 = arith.constant 0 : i32
      %dma_wait3A_662 = tpu.memref_slice %arg4[%add3A_645, %dma_wait3A_661] : memref<100000x128xf32, #tpu.memory_space<hbm>> -> memref<128x128xf32, #tpu.memory_space<hbm>>
      %dma_wait3A_663 = arith.constant 0 : i32
      %dma_wait3A_664 = arith.constant 0 : i32
      %dma_wait3A_665 = tpu.memref_slice %arg7[%dma_wait3A_663, %dma_wait3A_664] : memref<128x128xf32, #tpu.memory_space<vmem>> -> memref<128x128xf32, #tpu.memory_space<vmem>>
      tpu.wait_dma2 semaphore(%arg11 : memref<!tpu.dma_semaphore, #tpu.memory_space<semaphore_mem>>) src(%dma_wait3A_665 : memref<128x128xf32, #tpu.memory_space<vmem>>) dst(%dma_wait3A_662 : memref<128x128xf32, #tpu.memory_space<hbm>>)
      %dma_start3A_666 = arith.constant 0 : i32
      %dma_start3A_667 = arith.constant 0 : i32
      %dma_start3A_668 = tpu.memref_slice %arg7[%dma_start3A_666, %dma_start3A_667] : memref<128x128xf32, #tpu.memory_space<vmem>> -> memref<128x128xf32, #tpu.memory_space<vmem>>
      %dma_start3A_669 = arith.constant 2304 : i32
      %dma_start3A_670 = tpu.memref_slice %arg5[%dma_start3A_669] : memref<3200xi32, #tpu.memory_space<vmem>> -> memref<128xi32, #tpu.memory_space<vmem>>
      %dma_start3A_671 = arith.constant 0 : i32
      %dma_start3A_672 = arith.constant 0 : i32
      %dma_start3A_673 = tpu.memref_slice %arg6[%dma_start3A_671, %dma_start3A_672] : memref<56x128xf32, #tpu.memory_space<vmem_shared>> -> memref<56x128xf32, #tpu.memory_space<vmem_shared>>
      tpu.enqueue_indirect_dma source(%dma_start3A_673 : memref<56x128xf32, #tpu.memory_space<vmem_shared>>) target(%dma_start3A_668 : memref<128x128xf32, #tpu.memory_space<vmem>>) offsets(%dma_start3A_670 : memref<128xi32, #tpu.memory_space<vmem>>) semaphore(%arg9 : memref<!tpu.dma_semaphore, #tpu.memory_space<semaphore_mem>>)
      %dma_wait3A_674 = arith.constant 0 : i32
      %dma_wait3A_675 = arith.constant 0 : i32
      %dma_wait3A_676 = tpu.memref_slice %arg8[%dma_wait3A_674, %dma_wait3A_675] : memref<128x128xf32, #tpu.memory_space<vmem>> -> memref<128x128xf32, #tpu.memory_space<vmem>>
      %dma_wait3A_677 = arith.constant 2176 : i32
      %dma_wait3A_678 = tpu.memref_slice %arg5[%dma_wait3A_677] : memref<3200xi32, #tpu.memory_space<vmem>> -> memref<128xi32, #tpu.memory_space<vmem>>
      %dma_wait3A_679 = arith.constant 0 : i32
      %dma_wait3A_680 = arith.constant 0 : i32
      %dma_wait3A_681 = tpu.memref_slice %arg6[%dma_wait3A_679, %dma_wait3A_680] : memref<56x128xf32, #tpu.memory_space<vmem_shared>> -> memref<56x128xf32, #tpu.memory_space<vmem_shared>>
      tpu.wait_indirect_dma semaphore(%arg10 : memref<!tpu.dma_semaphore, #tpu.memory_space<semaphore_mem>>) src(%dma_wait3A_681 : memref<56x128xf32, #tpu.memory_space<vmem_shared>>) dst(%dma_wait3A_676 : memref<128x128xf32, #tpu.memory_space<vmem>>)
      %add3A_682 = arith.constant 2176 : i32
      %add3A_683 = arith.addi %mul3A_2, %add3A_682 : i32
      %dma_start3A_684 = arith.constant 0 : i32
      %dma_start3A_685 = arith.constant 0 : i32
      %dma_start3A_686 = tpu.memref_slice %arg8[%dma_start3A_684, %dma_start3A_685] : memref<128x128xf32, #tpu.memory_space<vmem>> -> memref<128x128xf32, #tpu.memory_space<vmem>>
      %dma_start3A_687 = arith.constant 0 : i32
      %dma_start3A_688 = tpu.memref_slice %arg4[%add3A_683, %dma_start3A_687] : memref<100000x128xf32, #tpu.memory_space<hbm>> -> memref<128x128xf32, #tpu.memory_space<hbm>>
      %dma_start3A_689 = arith.constant 0 : i32
      %dma_start3A_690 = tpu.memref_slice %arg4[%add3A_683, %dma_start3A_689] : memref<100000x128xf32, #tpu.memory_space<hbm>> -> memref<128x128xf32, #tpu.memory_space<hbm>>
      %dma_start3A_691 = arith.constant 0 : i32
      %dma_start3A_692 = arith.constant 0 : i32
      %dma_start3A_693 = tpu.memref_slice %arg8[%dma_start3A_691, %dma_start3A_692] : memref<128x128xf32, #tpu.memory_space<vmem>> -> memref<128x128xf32, #tpu.memory_space<vmem>>
      tpu.enqueue_dma source(%dma_start3A_693 : memref<128x128xf32, #tpu.memory_space<vmem>>) target(%dma_start3A_690 : memref<128x128xf32, #tpu.memory_space<hbm>>) target_semaphore(%arg12 : memref<!tpu.dma_semaphore, #tpu.memory_space<semaphore_mem>>)
      %dma_wait3A_694 = arith.constant 0 : i32
      %dma_wait3A_695 = arith.constant 0 : i32
      %dma_wait3A_696 = tpu.memref_slice %arg8[%dma_wait3A_694, %dma_wait3A_695] : memref<128x128xf32, #tpu.memory_space<vmem>> -> memref<128x128xf32, #tpu.memory_space<vmem>>
      %dma_wait3A_697 = arith.constant 0 : i32
      %dma_wait3A_698 = tpu.memref_slice %arg4[%add3A_683, %dma_wait3A_697] : memref<100000x128xf32, #tpu.memory_space<hbm>> -> memref<128x128xf32, #tpu.memory_space<hbm>>
      %dma_wait3A_699 = arith.constant 0 : i32
      %dma_wait3A_700 = tpu.memref_slice %arg4[%add3A_683, %dma_wait3A_699] : memref<100000x128xf32, #tpu.memory_space<hbm>> -> memref<128x128xf32, #tpu.memory_space<hbm>>
      %dma_wait3A_701 = arith.constant 0 : i32
      %dma_wait3A_702 = arith.constant 0 : i32
      %dma_wait3A_703 = tpu.memref_slice %arg8[%dma_wait3A_701, %dma_wait3A_702] : memref<128x128xf32, #tpu.memory_space<vmem>> -> memref<128x128xf32, #tpu.memory_space<vmem>>
      tpu.wait_dma2 semaphore(%arg12 : memref<!tpu.dma_semaphore, #tpu.memory_space<semaphore_mem>>) src(%dma_wait3A_703 : memref<128x128xf32, #tpu.memory_space<vmem>>) dst(%dma_wait3A_700 : memref<128x128xf32, #tpu.memory_space<hbm>>)
      %dma_start3A_704 = arith.constant 0 : i32
      %dma_start3A_705 = arith.constant 0 : i32
      %dma_start3A_706 = tpu.memref_slice %arg8[%dma_start3A_704, %dma_start3A_705] : memref<128x128xf32, #tpu.memory_space<vmem>> -> memref<128x128xf32, #tpu.memory_space<vmem>>
      %dma_start3A_707 = arith.constant 2432 : i32
      %dma_start3A_708 = tpu.memref_slice %arg5[%dma_start3A_707] : memref<3200xi32, #tpu.memory_space<vmem>> -> memref<128xi32, #tpu.memory_space<vmem>>
      %dma_start3A_709 = arith.constant 0 : i32
      %dma_start3A_710 = arith.constant 0 : i32
      %dma_start3A_711 = tpu.memref_slice %arg6[%dma_start3A_709, %dma_start3A_710] : memref<56x128xf32, #tpu.memory_space<vmem_shared>> -> memref<56x128xf32, #tpu.memory_space<vmem_shared>>
      tpu.enqueue_indirect_dma source(%dma_start3A_711 : memref<56x128xf32, #tpu.memory_space<vmem_shared>>) target(%dma_start3A_706 : memref<128x128xf32, #tpu.memory_space<vmem>>) offsets(%dma_start3A_708 : memref<128xi32, #tpu.memory_space<vmem>>) semaphore(%arg10 : memref<!tpu.dma_semaphore, #tpu.memory_space<semaphore_mem>>)
      %dma_wait3A_712 = arith.constant 0 : i32
      %dma_wait3A_713 = arith.constant 0 : i32
      %dma_wait3A_714 = tpu.memref_slice %arg7[%dma_wait3A_712, %dma_wait3A_713] : memref<128x128xf32, #tpu.memory_space<vmem>> -> memref<128x128xf32, #tpu.memory_space<vmem>>
      %dma_wait3A_715 = arith.constant 2304 : i32
      %dma_wait3A_716 = tpu.memref_slice %arg5[%dma_wait3A_715] : memref<3200xi32, #tpu.memory_space<vmem>> -> memref<128xi32, #tpu.memory_space<vmem>>
      %dma_wait3A_717 = arith.constant 0 : i32
      %dma_wait3A_718 = arith.constant 0 : i32
      %dma_wait3A_719 = tpu.memref_slice %arg6[%dma_wait3A_717, %dma_wait3A_718] : memref<56x128xf32, #tpu.memory_space<vmem_shared>> -> memref<56x128xf32, #tpu.memory_space<vmem_shared>>
      tpu.wait_indirect_dma semaphore(%arg9 : memref<!tpu.dma_semaphore, #tpu.memory_space<semaphore_mem>>) src(%dma_wait3A_719 : memref<56x128xf32, #tpu.memory_space<vmem_shared>>) dst(%dma_wait3A_714 : memref<128x128xf32, #tpu.memory_space<vmem>>)
      %add3A_720 = arith.constant 2304 : i32
      %add3A_721 = arith.addi %mul3A_2, %add3A_720 : i32
      %dma_start3A_722 = arith.constant 0 : i32
      %dma_start3A_723 = arith.constant 0 : i32
      %dma_start3A_724 = tpu.memref_slice %arg7[%dma_start3A_722, %dma_start3A_723] : memref<128x128xf32, #tpu.memory_space<vmem>> -> memref<128x128xf32, #tpu.memory_space<vmem>>
      %dma_start3A_725 = arith.constant 0 : i32
      %dma_start3A_726 = tpu.memref_slice %arg4[%add3A_721, %dma_start3A_725] : memref<100000x128xf32, #tpu.memory_space<hbm>> -> memref<128x128xf32, #tpu.memory_space<hbm>>
      %dma_start3A_727 = arith.constant 0 : i32
      %dma_start3A_728 = tpu.memref_slice %arg4[%add3A_721, %dma_start3A_727] : memref<100000x128xf32, #tpu.memory_space<hbm>> -> memref<128x128xf32, #tpu.memory_space<hbm>>
      %dma_start3A_729 = arith.constant 0 : i32
      %dma_start3A_730 = arith.constant 0 : i32
      %dma_start3A_731 = tpu.memref_slice %arg7[%dma_start3A_729, %dma_start3A_730] : memref<128x128xf32, #tpu.memory_space<vmem>> -> memref<128x128xf32, #tpu.memory_space<vmem>>
      tpu.enqueue_dma source(%dma_start3A_731 : memref<128x128xf32, #tpu.memory_space<vmem>>) target(%dma_start3A_728 : memref<128x128xf32, #tpu.memory_space<hbm>>) target_semaphore(%arg11 : memref<!tpu.dma_semaphore, #tpu.memory_space<semaphore_mem>>)
      %dma_wait3A_732 = arith.constant 0 : i32
      %dma_wait3A_733 = arith.constant 0 : i32
      %dma_wait3A_734 = tpu.memref_slice %arg7[%dma_wait3A_732, %dma_wait3A_733] : memref<128x128xf32, #tpu.memory_space<vmem>> -> memref<128x128xf32, #tpu.memory_space<vmem>>
      %dma_wait3A_735 = arith.constant 0 : i32
      %dma_wait3A_736 = tpu.memref_slice %arg4[%add3A_721, %dma_wait3A_735] : memref<100000x128xf32, #tpu.memory_space<hbm>> -> memref<128x128xf32, #tpu.memory_space<hbm>>
      %dma_wait3A_737 = arith.constant 0 : i32
      %dma_wait3A_738 = tpu.memref_slice %arg4[%add3A_721, %dma_wait3A_737] : memref<100000x128xf32, #tpu.memory_space<hbm>> -> memref<128x128xf32, #tpu.memory_space<hbm>>
      %dma_wait3A_739 = arith.constant 0 : i32
      %dma_wait3A_740 = arith.constant 0 : i32
      %dma_wait3A_741 = tpu.memref_slice %arg7[%dma_wait3A_739, %dma_wait3A_740] : memref<128x128xf32, #tpu.memory_space<vmem>> -> memref<128x128xf32, #tpu.memory_space<vmem>>
      tpu.wait_dma2 semaphore(%arg11 : memref<!tpu.dma_semaphore, #tpu.memory_space<semaphore_mem>>) src(%dma_wait3A_741 : memref<128x128xf32, #tpu.memory_space<vmem>>) dst(%dma_wait3A_738 : memref<128x128xf32, #tpu.memory_space<hbm>>)
      %dma_start3A_742 = arith.constant 0 : i32
      %dma_start3A_743 = arith.constant 0 : i32
      %dma_start3A_744 = tpu.memref_slice %arg7[%dma_start3A_742, %dma_start3A_743] : memref<128x128xf32, #tpu.memory_space<vmem>> -> memref<128x128xf32, #tpu.memory_space<vmem>>
      %dma_start3A_745 = arith.constant 2560 : i32
      %dma_start3A_746 = tpu.memref_slice %arg5[%dma_start3A_745] : memref<3200xi32, #tpu.memory_space<vmem>> -> memref<128xi32, #tpu.memory_space<vmem>>
      %dma_start3A_747 = arith.constant 0 : i32
      %dma_start3A_748 = arith.constant 0 : i32
      %dma_start3A_749 = tpu.memref_slice %arg6[%dma_start3A_747, %dma_start3A_748] : memref<56x128xf32, #tpu.memory_space<vmem_shared>> -> memref<56x128xf32, #tpu.memory_space<vmem_shared>>
      tpu.enqueue_indirect_dma source(%dma_start3A_749 : memref<56x128xf32, #tpu.memory_space<vmem_shared>>) target(%dma_start3A_744 : memref<128x128xf32, #tpu.memory_space<vmem>>) offsets(%dma_start3A_746 : memref<128xi32, #tpu.memory_space<vmem>>) semaphore(%arg9 : memref<!tpu.dma_semaphore, #tpu.memory_space<semaphore_mem>>)
      %dma_wait3A_750 = arith.constant 0 : i32
      %dma_wait3A_751 = arith.constant 0 : i32
      %dma_wait3A_752 = tpu.memref_slice %arg8[%dma_wait3A_750, %dma_wait3A_751] : memref<128x128xf32, #tpu.memory_space<vmem>> -> memref<128x128xf32, #tpu.memory_space<vmem>>
      %dma_wait3A_753 = arith.constant 2432 : i32
      %dma_wait3A_754 = tpu.memref_slice %arg5[%dma_wait3A_753] : memref<3200xi32, #tpu.memory_space<vmem>> -> memref<128xi32, #tpu.memory_space<vmem>>
      %dma_wait3A_755 = arith.constant 0 : i32
      %dma_wait3A_756 = arith.constant 0 : i32
      %dma_wait3A_757 = tpu.memref_slice %arg6[%dma_wait3A_755, %dma_wait3A_756] : memref<56x128xf32, #tpu.memory_space<vmem_shared>> -> memref<56x128xf32, #tpu.memory_space<vmem_shared>>
      tpu.wait_indirect_dma semaphore(%arg10 : memref<!tpu.dma_semaphore, #tpu.memory_space<semaphore_mem>>) src(%dma_wait3A_757 : memref<56x128xf32, #tpu.memory_space<vmem_shared>>) dst(%dma_wait3A_752 : memref<128x128xf32, #tpu.memory_space<vmem>>)
      %add3A_758 = arith.constant 2432 : i32
      %add3A_759 = arith.addi %mul3A_2, %add3A_758 : i32
      %dma_start3A_760 = arith.constant 0 : i32
      %dma_start3A_761 = arith.constant 0 : i32
      %dma_start3A_762 = tpu.memref_slice %arg8[%dma_start3A_760, %dma_start3A_761] : memref<128x128xf32, #tpu.memory_space<vmem>> -> memref<128x128xf32, #tpu.memory_space<vmem>>
      %dma_start3A_763 = arith.constant 0 : i32
      %dma_start3A_764 = tpu.memref_slice %arg4[%add3A_759, %dma_start3A_763] : memref<100000x128xf32, #tpu.memory_space<hbm>> -> memref<128x128xf32, #tpu.memory_space<hbm>>
      %dma_start3A_765 = arith.constant 0 : i32
      %dma_start3A_766 = tpu.memref_slice %arg4[%add3A_759, %dma_start3A_765] : memref<100000x128xf32, #tpu.memory_space<hbm>> -> memref<128x128xf32, #tpu.memory_space<hbm>>
      %dma_start3A_767 = arith.constant 0 : i32
      %dma_start3A_768 = arith.constant 0 : i32
      %dma_start3A_769 = tpu.memref_slice %arg8[%dma_start3A_767, %dma_start3A_768] : memref<128x128xf32, #tpu.memory_space<vmem>> -> memref<128x128xf32, #tpu.memory_space<vmem>>
      tpu.enqueue_dma source(%dma_start3A_769 : memref<128x128xf32, #tpu.memory_space<vmem>>) target(%dma_start3A_766 : memref<128x128xf32, #tpu.memory_space<hbm>>) target_semaphore(%arg12 : memref<!tpu.dma_semaphore, #tpu.memory_space<semaphore_mem>>)
      %dma_wait3A_770 = arith.constant 0 : i32
      %dma_wait3A_771 = arith.constant 0 : i32
      %dma_wait3A_772 = tpu.memref_slice %arg8[%dma_wait3A_770, %dma_wait3A_771] : memref<128x128xf32, #tpu.memory_space<vmem>> -> memref<128x128xf32, #tpu.memory_space<vmem>>
      %dma_wait3A_773 = arith.constant 0 : i32
      %dma_wait3A_774 = tpu.memref_slice %arg4[%add3A_759, %dma_wait3A_773] : memref<100000x128xf32, #tpu.memory_space<hbm>> -> memref<128x128xf32, #tpu.memory_space<hbm>>
      %dma_wait3A_775 = arith.constant 0 : i32
      %dma_wait3A_776 = tpu.memref_slice %arg4[%add3A_759, %dma_wait3A_775] : memref<100000x128xf32, #tpu.memory_space<hbm>> -> memref<128x128xf32, #tpu.memory_space<hbm>>
      %dma_wait3A_777 = arith.constant 0 : i32
      %dma_wait3A_778 = arith.constant 0 : i32
      %dma_wait3A_779 = tpu.memref_slice %arg8[%dma_wait3A_777, %dma_wait3A_778] : memref<128x128xf32, #tpu.memory_space<vmem>> -> memref<128x128xf32, #tpu.memory_space<vmem>>
      tpu.wait_dma2 semaphore(%arg12 : memref<!tpu.dma_semaphore, #tpu.memory_space<semaphore_mem>>) src(%dma_wait3A_779 : memref<128x128xf32, #tpu.memory_space<vmem>>) dst(%dma_wait3A_776 : memref<128x128xf32, #tpu.memory_space<hbm>>)
      %dma_start3A_780 = arith.constant 0 : i32
      %dma_start3A_781 = arith.constant 0 : i32
      %dma_start3A_782 = tpu.memref_slice %arg8[%dma_start3A_780, %dma_start3A_781] : memref<128x128xf32, #tpu.memory_space<vmem>> -> memref<128x128xf32, #tpu.memory_space<vmem>>
      %dma_start3A_783 = arith.constant 2688 : i32
      %dma_start3A_784 = tpu.memref_slice %arg5[%dma_start3A_783] : memref<3200xi32, #tpu.memory_space<vmem>> -> memref<128xi32, #tpu.memory_space<vmem>>
      %dma_start3A_785 = arith.constant 0 : i32
      %dma_start3A_786 = arith.constant 0 : i32
      %dma_start3A_787 = tpu.memref_slice %arg6[%dma_start3A_785, %dma_start3A_786] : memref<56x128xf32, #tpu.memory_space<vmem_shared>> -> memref<56x128xf32, #tpu.memory_space<vmem_shared>>
      tpu.enqueue_indirect_dma source(%dma_start3A_787 : memref<56x128xf32, #tpu.memory_space<vmem_shared>>) target(%dma_start3A_782 : memref<128x128xf32, #tpu.memory_space<vmem>>) offsets(%dma_start3A_784 : memref<128xi32, #tpu.memory_space<vmem>>) semaphore(%arg10 : memref<!tpu.dma_semaphore, #tpu.memory_space<semaphore_mem>>)
      %dma_wait3A_788 = arith.constant 0 : i32
      %dma_wait3A_789 = arith.constant 0 : i32
      %dma_wait3A_790 = tpu.memref_slice %arg7[%dma_wait3A_788, %dma_wait3A_789] : memref<128x128xf32, #tpu.memory_space<vmem>> -> memref<128x128xf32, #tpu.memory_space<vmem>>
      %dma_wait3A_791 = arith.constant 2560 : i32
      %dma_wait3A_792 = tpu.memref_slice %arg5[%dma_wait3A_791] : memref<3200xi32, #tpu.memory_space<vmem>> -> memref<128xi32, #tpu.memory_space<vmem>>
      %dma_wait3A_793 = arith.constant 0 : i32
      %dma_wait3A_794 = arith.constant 0 : i32
      %dma_wait3A_795 = tpu.memref_slice %arg6[%dma_wait3A_793, %dma_wait3A_794] : memref<56x128xf32, #tpu.memory_space<vmem_shared>> -> memref<56x128xf32, #tpu.memory_space<vmem_shared>>
      tpu.wait_indirect_dma semaphore(%arg9 : memref<!tpu.dma_semaphore, #tpu.memory_space<semaphore_mem>>) src(%dma_wait3A_795 : memref<56x128xf32, #tpu.memory_space<vmem_shared>>) dst(%dma_wait3A_790 : memref<128x128xf32, #tpu.memory_space<vmem>>)
      %add3A_796 = arith.constant 2560 : i32
      %add3A_797 = arith.addi %mul3A_2, %add3A_796 : i32
      %dma_start3A_798 = arith.constant 0 : i32
      %dma_start3A_799 = arith.constant 0 : i32
      %dma_start3A_800 = tpu.memref_slice %arg7[%dma_start3A_798, %dma_start3A_799] : memref<128x128xf32, #tpu.memory_space<vmem>> -> memref<128x128xf32, #tpu.memory_space<vmem>>
      %dma_start3A_801 = arith.constant 0 : i32
      %dma_start3A_802 = tpu.memref_slice %arg4[%add3A_797, %dma_start3A_801] : memref<100000x128xf32, #tpu.memory_space<hbm>> -> memref<128x128xf32, #tpu.memory_space<hbm>>
      %dma_start3A_803 = arith.constant 0 : i32
      %dma_start3A_804 = tpu.memref_slice %arg4[%add3A_797, %dma_start3A_803] : memref<100000x128xf32, #tpu.memory_space<hbm>> -> memref<128x128xf32, #tpu.memory_space<hbm>>
      %dma_start3A_805 = arith.constant 0 : i32
      %dma_start3A_806 = arith.constant 0 : i32
      %dma_start3A_807 = tpu.memref_slice %arg7[%dma_start3A_805, %dma_start3A_806] : memref<128x128xf32, #tpu.memory_space<vmem>> -> memref<128x128xf32, #tpu.memory_space<vmem>>
      tpu.enqueue_dma source(%dma_start3A_807 : memref<128x128xf32, #tpu.memory_space<vmem>>) target(%dma_start3A_804 : memref<128x128xf32, #tpu.memory_space<hbm>>) target_semaphore(%arg11 : memref<!tpu.dma_semaphore, #tpu.memory_space<semaphore_mem>>)
      %dma_wait3A_808 = arith.constant 0 : i32
      %dma_wait3A_809 = arith.constant 0 : i32
      %dma_wait3A_810 = tpu.memref_slice %arg7[%dma_wait3A_808, %dma_wait3A_809] : memref<128x128xf32, #tpu.memory_space<vmem>> -> memref<128x128xf32, #tpu.memory_space<vmem>>
      %dma_wait3A_811 = arith.constant 0 : i32
      %dma_wait3A_812 = tpu.memref_slice %arg4[%add3A_797, %dma_wait3A_811] : memref<100000x128xf32, #tpu.memory_space<hbm>> -> memref<128x128xf32, #tpu.memory_space<hbm>>
      %dma_wait3A_813 = arith.constant 0 : i32
      %dma_wait3A_814 = tpu.memref_slice %arg4[%add3A_797, %dma_wait3A_813] : memref<100000x128xf32, #tpu.memory_space<hbm>> -> memref<128x128xf32, #tpu.memory_space<hbm>>
      %dma_wait3A_815 = arith.constant 0 : i32
      %dma_wait3A_816 = arith.constant 0 : i32
      %dma_wait3A_817 = tpu.memref_slice %arg7[%dma_wait3A_815, %dma_wait3A_816] : memref<128x128xf32, #tpu.memory_space<vmem>> -> memref<128x128xf32, #tpu.memory_space<vmem>>
      tpu.wait_dma2 semaphore(%arg11 : memref<!tpu.dma_semaphore, #tpu.memory_space<semaphore_mem>>) src(%dma_wait3A_817 : memref<128x128xf32, #tpu.memory_space<vmem>>) dst(%dma_wait3A_814 : memref<128x128xf32, #tpu.memory_space<hbm>>)
      %dma_start3A_818 = arith.constant 0 : i32
      %dma_start3A_819 = arith.constant 0 : i32
      %dma_start3A_820 = tpu.memref_slice %arg7[%dma_start3A_818, %dma_start3A_819] : memref<128x128xf32, #tpu.memory_space<vmem>> -> memref<128x128xf32, #tpu.memory_space<vmem>>
      %dma_start3A_821 = arith.constant 2816 : i32
      %dma_start3A_822 = tpu.memref_slice %arg5[%dma_start3A_821] : memref<3200xi32, #tpu.memory_space<vmem>> -> memref<128xi32, #tpu.memory_space<vmem>>
      %dma_start3A_823 = arith.constant 0 : i32
      %dma_start3A_824 = arith.constant 0 : i32
      %dma_start3A_825 = tpu.memref_slice %arg6[%dma_start3A_823, %dma_start3A_824] : memref<56x128xf32, #tpu.memory_space<vmem_shared>> -> memref<56x128xf32, #tpu.memory_space<vmem_shared>>
      tpu.enqueue_indirect_dma source(%dma_start3A_825 : memref<56x128xf32, #tpu.memory_space<vmem_shared>>) target(%dma_start3A_820 : memref<128x128xf32, #tpu.memory_space<vmem>>) offsets(%dma_start3A_822 : memref<128xi32, #tpu.memory_space<vmem>>) semaphore(%arg9 : memref<!tpu.dma_semaphore, #tpu.memory_space<semaphore_mem>>)
      %dma_wait3A_826 = arith.constant 0 : i32
      %dma_wait3A_827 = arith.constant 0 : i32
      %dma_wait3A_828 = tpu.memref_slice %arg8[%dma_wait3A_826, %dma_wait3A_827] : memref<128x128xf32, #tpu.memory_space<vmem>> -> memref<128x128xf32, #tpu.memory_space<vmem>>
      %dma_wait3A_829 = arith.constant 2688 : i32
      %dma_wait3A_830 = tpu.memref_slice %arg5[%dma_wait3A_829] : memref<3200xi32, #tpu.memory_space<vmem>> -> memref<128xi32, #tpu.memory_space<vmem>>
      %dma_wait3A_831 = arith.constant 0 : i32
      %dma_wait3A_832 = arith.constant 0 : i32
      %dma_wait3A_833 = tpu.memref_slice %arg6[%dma_wait3A_831, %dma_wait3A_832] : memref<56x128xf32, #tpu.memory_space<vmem_shared>> -> memref<56x128xf32, #tpu.memory_space<vmem_shared>>
      tpu.wait_indirect_dma semaphore(%arg10 : memref<!tpu.dma_semaphore, #tpu.memory_space<semaphore_mem>>) src(%dma_wait3A_833 : memref<56x128xf32, #tpu.memory_space<vmem_shared>>) dst(%dma_wait3A_828 : memref<128x128xf32, #tpu.memory_space<vmem>>)
      %add3A_834 = arith.constant 2688 : i32
      %add3A_835 = arith.addi %mul3A_2, %add3A_834 : i32
      %dma_start3A_836 = arith.constant 0 : i32
      %dma_start3A_837 = arith.constant 0 : i32
      %dma_start3A_838 = tpu.memref_slice %arg8[%dma_start3A_836, %dma_start3A_837] : memref<128x128xf32, #tpu.memory_space<vmem>> -> memref<128x128xf32, #tpu.memory_space<vmem>>
      %dma_start3A_839 = arith.constant 0 : i32
      %dma_start3A_840 = tpu.memref_slice %arg4[%add3A_835, %dma_start3A_839] : memref<100000x128xf32, #tpu.memory_space<hbm>> -> memref<128x128xf32, #tpu.memory_space<hbm>>
      %dma_start3A_841 = arith.constant 0 : i32
      %dma_start3A_842 = tpu.memref_slice %arg4[%add3A_835, %dma_start3A_841] : memref<100000x128xf32, #tpu.memory_space<hbm>> -> memref<128x128xf32, #tpu.memory_space<hbm>>
      %dma_start3A_843 = arith.constant 0 : i32
      %dma_start3A_844 = arith.constant 0 : i32
      %dma_start3A_845 = tpu.memref_slice %arg8[%dma_start3A_843, %dma_start3A_844] : memref<128x128xf32, #tpu.memory_space<vmem>> -> memref<128x128xf32, #tpu.memory_space<vmem>>
      tpu.enqueue_dma source(%dma_start3A_845 : memref<128x128xf32, #tpu.memory_space<vmem>>) target(%dma_start3A_842 : memref<128x128xf32, #tpu.memory_space<hbm>>) target_semaphore(%arg12 : memref<!tpu.dma_semaphore, #tpu.memory_space<semaphore_mem>>)
      %dma_wait3A_846 = arith.constant 0 : i32
      %dma_wait3A_847 = arith.constant 0 : i32
      %dma_wait3A_848 = tpu.memref_slice %arg8[%dma_wait3A_846, %dma_wait3A_847] : memref<128x128xf32, #tpu.memory_space<vmem>> -> memref<128x128xf32, #tpu.memory_space<vmem>>
      %dma_wait3A_849 = arith.constant 0 : i32
      %dma_wait3A_850 = tpu.memref_slice %arg4[%add3A_835, %dma_wait3A_849] : memref<100000x128xf32, #tpu.memory_space<hbm>> -> memref<128x128xf32, #tpu.memory_space<hbm>>
      %dma_wait3A_851 = arith.constant 0 : i32
      %dma_wait3A_852 = tpu.memref_slice %arg4[%add3A_835, %dma_wait3A_851] : memref<100000x128xf32, #tpu.memory_space<hbm>> -> memref<128x128xf32, #tpu.memory_space<hbm>>
      %dma_wait3A_853 = arith.constant 0 : i32
      %dma_wait3A_854 = arith.constant 0 : i32
      %dma_wait3A_855 = tpu.memref_slice %arg8[%dma_wait3A_853, %dma_wait3A_854] : memref<128x128xf32, #tpu.memory_space<vmem>> -> memref<128x128xf32, #tpu.memory_space<vmem>>
      tpu.wait_dma2 semaphore(%arg12 : memref<!tpu.dma_semaphore, #tpu.memory_space<semaphore_mem>>) src(%dma_wait3A_855 : memref<128x128xf32, #tpu.memory_space<vmem>>) dst(%dma_wait3A_852 : memref<128x128xf32, #tpu.memory_space<hbm>>)
      %dma_start3A_856 = arith.constant 0 : i32
      %dma_start3A_857 = arith.constant 0 : i32
      %dma_start3A_858 = tpu.memref_slice %arg8[%dma_start3A_856, %dma_start3A_857] : memref<128x128xf32, #tpu.memory_space<vmem>> -> memref<128x128xf32, #tpu.memory_space<vmem>>
      %dma_start3A_859 = arith.constant 2944 : i32
      %dma_start3A_860 = tpu.memref_slice %arg5[%dma_start3A_859] : memref<3200xi32, #tpu.memory_space<vmem>> -> memref<128xi32, #tpu.memory_space<vmem>>
      %dma_start3A_861 = arith.constant 0 : i32
      %dma_start3A_862 = arith.constant 0 : i32
      %dma_start3A_863 = tpu.memref_slice %arg6[%dma_start3A_861, %dma_start3A_862] : memref<56x128xf32, #tpu.memory_space<vmem_shared>> -> memref<56x128xf32, #tpu.memory_space<vmem_shared>>
      tpu.enqueue_indirect_dma source(%dma_start3A_863 : memref<56x128xf32, #tpu.memory_space<vmem_shared>>) target(%dma_start3A_858 : memref<128x128xf32, #tpu.memory_space<vmem>>) offsets(%dma_start3A_860 : memref<128xi32, #tpu.memory_space<vmem>>) semaphore(%arg10 : memref<!tpu.dma_semaphore, #tpu.memory_space<semaphore_mem>>)
      %dma_wait3A_864 = arith.constant 0 : i32
      %dma_wait3A_865 = arith.constant 0 : i32
      %dma_wait3A_866 = tpu.memref_slice %arg7[%dma_wait3A_864, %dma_wait3A_865] : memref<128x128xf32, #tpu.memory_space<vmem>> -> memref<128x128xf32, #tpu.memory_space<vmem>>
      %dma_wait3A_867 = arith.constant 2816 : i32
      %dma_wait3A_868 = tpu.memref_slice %arg5[%dma_wait3A_867] : memref<3200xi32, #tpu.memory_space<vmem>> -> memref<128xi32, #tpu.memory_space<vmem>>
      %dma_wait3A_869 = arith.constant 0 : i32
      %dma_wait3A_870 = arith.constant 0 : i32
      %dma_wait3A_871 = tpu.memref_slice %arg6[%dma_wait3A_869, %dma_wait3A_870] : memref<56x128xf32, #tpu.memory_space<vmem_shared>> -> memref<56x128xf32, #tpu.memory_space<vmem_shared>>
      tpu.wait_indirect_dma semaphore(%arg9 : memref<!tpu.dma_semaphore, #tpu.memory_space<semaphore_mem>>) src(%dma_wait3A_871 : memref<56x128xf32, #tpu.memory_space<vmem_shared>>) dst(%dma_wait3A_866 : memref<128x128xf32, #tpu.memory_space<vmem>>)
      %add3A_872 = arith.constant 2816 : i32
      %add3A_873 = arith.addi %mul3A_2, %add3A_872 : i32
      %dma_start3A_874 = arith.constant 0 : i32
      %dma_start3A_875 = arith.constant 0 : i32
      %dma_start3A_876 = tpu.memref_slice %arg7[%dma_start3A_874, %dma_start3A_875] : memref<128x128xf32, #tpu.memory_space<vmem>> -> memref<128x128xf32, #tpu.memory_space<vmem>>
      %dma_start3A_877 = arith.constant 0 : i32
      %dma_start3A_878 = tpu.memref_slice %arg4[%add3A_873, %dma_start3A_877] : memref<100000x128xf32, #tpu.memory_space<hbm>> -> memref<128x128xf32, #tpu.memory_space<hbm>>
      %dma_start3A_879 = arith.constant 0 : i32
      %dma_start3A_880 = tpu.memref_slice %arg4[%add3A_873, %dma_start3A_879] : memref<100000x128xf32, #tpu.memory_space<hbm>> -> memref<128x128xf32, #tpu.memory_space<hbm>>
      %dma_start3A_881 = arith.constant 0 : i32
      %dma_start3A_882 = arith.constant 0 : i32
      %dma_start3A_883 = tpu.memref_slice %arg7[%dma_start3A_881, %dma_start3A_882] : memref<128x128xf32, #tpu.memory_space<vmem>> -> memref<128x128xf32, #tpu.memory_space<vmem>>
      tpu.enqueue_dma source(%dma_start3A_883 : memref<128x128xf32, #tpu.memory_space<vmem>>) target(%dma_start3A_880 : memref<128x128xf32, #tpu.memory_space<hbm>>) target_semaphore(%arg11 : memref<!tpu.dma_semaphore, #tpu.memory_space<semaphore_mem>>)
      %dma_wait3A_884 = arith.constant 0 : i32
      %dma_wait3A_885 = arith.constant 0 : i32
      %dma_wait3A_886 = tpu.memref_slice %arg7[%dma_wait3A_884, %dma_wait3A_885] : memref<128x128xf32, #tpu.memory_space<vmem>> -> memref<128x128xf32, #tpu.memory_space<vmem>>
      %dma_wait3A_887 = arith.constant 0 : i32
      %dma_wait3A_888 = tpu.memref_slice %arg4[%add3A_873, %dma_wait3A_887] : memref<100000x128xf32, #tpu.memory_space<hbm>> -> memref<128x128xf32, #tpu.memory_space<hbm>>
      %dma_wait3A_889 = arith.constant 0 : i32
      %dma_wait3A_890 = tpu.memref_slice %arg4[%add3A_873, %dma_wait3A_889] : memref<100000x128xf32, #tpu.memory_space<hbm>> -> memref<128x128xf32, #tpu.memory_space<hbm>>
      %dma_wait3A_891 = arith.constant 0 : i32
      %dma_wait3A_892 = arith.constant 0 : i32
      %dma_wait3A_893 = tpu.memref_slice %arg7[%dma_wait3A_891, %dma_wait3A_892] : memref<128x128xf32, #tpu.memory_space<vmem>> -> memref<128x128xf32, #tpu.memory_space<vmem>>
      tpu.wait_dma2 semaphore(%arg11 : memref<!tpu.dma_semaphore, #tpu.memory_space<semaphore_mem>>) src(%dma_wait3A_893 : memref<128x128xf32, #tpu.memory_space<vmem>>) dst(%dma_wait3A_890 : memref<128x128xf32, #tpu.memory_space<hbm>>)
      %dma_start3A_894 = arith.constant 0 : i32
      %dma_start3A_895 = arith.constant 0 : i32
      %dma_start3A_896 = tpu.memref_slice %arg7[%dma_start3A_894, %dma_start3A_895] : memref<128x128xf32, #tpu.memory_space<vmem>> -> memref<128x128xf32, #tpu.memory_space<vmem>>
      %dma_start3A_897 = arith.constant 3072 : i32
      %dma_start3A_898 = tpu.memref_slice %arg5[%dma_start3A_897] : memref<3200xi32, #tpu.memory_space<vmem>> -> memref<128xi32, #tpu.memory_space<vmem>>
      %dma_start3A_899 = arith.constant 0 : i32
      %dma_start3A_900 = arith.constant 0 : i32
      %dma_start3A_901 = tpu.memref_slice %arg6[%dma_start3A_899, %dma_start3A_900] : memref<56x128xf32, #tpu.memory_space<vmem_shared>> -> memref<56x128xf32, #tpu.memory_space<vmem_shared>>
      tpu.enqueue_indirect_dma source(%dma_start3A_901 : memref<56x128xf32, #tpu.memory_space<vmem_shared>>) target(%dma_start3A_896 : memref<128x128xf32, #tpu.memory_space<vmem>>) offsets(%dma_start3A_898 : memref<128xi32, #tpu.memory_space<vmem>>) semaphore(%arg9 : memref<!tpu.dma_semaphore, #tpu.memory_space<semaphore_mem>>)
      %dma_wait3A_902 = arith.constant 0 : i32
      %dma_wait3A_903 = arith.constant 0 : i32
      %dma_wait3A_904 = tpu.memref_slice %arg8[%dma_wait3A_902, %dma_wait3A_903] : memref<128x128xf32, #tpu.memory_space<vmem>> -> memref<128x128xf32, #tpu.memory_space<vmem>>
      %dma_wait3A_905 = arith.constant 2944 : i32
      %dma_wait3A_906 = tpu.memref_slice %arg5[%dma_wait3A_905] : memref<3200xi32, #tpu.memory_space<vmem>> -> memref<128xi32, #tpu.memory_space<vmem>>
      %dma_wait3A_907 = arith.constant 0 : i32
      %dma_wait3A_908 = arith.constant 0 : i32
      %dma_wait3A_909 = tpu.memref_slice %arg6[%dma_wait3A_907, %dma_wait3A_908] : memref<56x128xf32, #tpu.memory_space<vmem_shared>> -> memref<56x128xf32, #tpu.memory_space<vmem_shared>>
      tpu.wait_indirect_dma semaphore(%arg10 : memref<!tpu.dma_semaphore, #tpu.memory_space<semaphore_mem>>) src(%dma_wait3A_909 : memref<56x128xf32, #tpu.memory_space<vmem_shared>>) dst(%dma_wait3A_904 : memref<128x128xf32, #tpu.memory_space<vmem>>)
      %add3A_910 = arith.constant 2944 : i32
      %add3A_911 = arith.addi %mul3A_2, %add3A_910 : i32
      %dma_start3A_912 = arith.constant 0 : i32
      %dma_start3A_913 = arith.constant 0 : i32
      %dma_start3A_914 = tpu.memref_slice %arg8[%dma_start3A_912, %dma_start3A_913] : memref<128x128xf32, #tpu.memory_space<vmem>> -> memref<128x128xf32, #tpu.memory_space<vmem>>
      %dma_start3A_915 = arith.constant 0 : i32
      %dma_start3A_916 = tpu.memref_slice %arg4[%add3A_911, %dma_start3A_915] : memref<100000x128xf32, #tpu.memory_space<hbm>> -> memref<128x128xf32, #tpu.memory_space<hbm>>
      %dma_start3A_917 = arith.constant 0 : i32
      %dma_start3A_918 = tpu.memref_slice %arg4[%add3A_911, %dma_start3A_917] : memref<100000x128xf32, #tpu.memory_space<hbm>> -> memref<128x128xf32, #tpu.memory_space<hbm>>
      %dma_start3A_919 = arith.constant 0 : i32
      %dma_start3A_920 = arith.constant 0 : i32
      %dma_start3A_921 = tpu.memref_slice %arg8[%dma_start3A_919, %dma_start3A_920] : memref<128x128xf32, #tpu.memory_space<vmem>> -> memref<128x128xf32, #tpu.memory_space<vmem>>
      tpu.enqueue_dma source(%dma_start3A_921 : memref<128x128xf32, #tpu.memory_space<vmem>>) target(%dma_start3A_918 : memref<128x128xf32, #tpu.memory_space<hbm>>) target_semaphore(%arg12 : memref<!tpu.dma_semaphore, #tpu.memory_space<semaphore_mem>>)
      %dma_wait3A_922 = arith.constant 0 : i32
      %dma_wait3A_923 = arith.constant 0 : i32
      %dma_wait3A_924 = tpu.memref_slice %arg7[%dma_wait3A_922, %dma_wait3A_923] : memref<128x128xf32, #tpu.memory_space<vmem>> -> memref<128x128xf32, #tpu.memory_space<vmem>>
      %dma_wait3A_925 = arith.constant 3072 : i32
      %dma_wait3A_926 = tpu.memref_slice %arg5[%dma_wait3A_925] : memref<3200xi32, #tpu.memory_space<vmem>> -> memref<128xi32, #tpu.memory_space<vmem>>
      %dma_wait3A_927 = arith.constant 0 : i32
      %dma_wait3A_928 = arith.constant 0 : i32
      %dma_wait3A_929 = tpu.memref_slice %arg6[%dma_wait3A_927, %dma_wait3A_928] : memref<56x128xf32, #tpu.memory_space<vmem_shared>> -> memref<56x128xf32, #tpu.memory_space<vmem_shared>>
      tpu.wait_indirect_dma semaphore(%arg9 : memref<!tpu.dma_semaphore, #tpu.memory_space<semaphore_mem>>) src(%dma_wait3A_929 : memref<56x128xf32, #tpu.memory_space<vmem_shared>>) dst(%dma_wait3A_924 : memref<128x128xf32, #tpu.memory_space<vmem>>)
      %add3A_930 = arith.constant 3072 : i32
      %add3A_931 = arith.addi %mul3A_2, %add3A_930 : i32
      %dma_start3A_932 = arith.constant 0 : i32
      %dma_start3A_933 = arith.constant 0 : i32
      %dma_start3A_934 = tpu.memref_slice %arg7[%dma_start3A_932, %dma_start3A_933] : memref<128x128xf32, #tpu.memory_space<vmem>> -> memref<128x128xf32, #tpu.memory_space<vmem>>
      %dma_start3A_935 = arith.constant 0 : i32
      %dma_start3A_936 = tpu.memref_slice %arg4[%add3A_931, %dma_start3A_935] : memref<100000x128xf32, #tpu.memory_space<hbm>> -> memref<128x128xf32, #tpu.memory_space<hbm>>
      %dma_start3A_937 = arith.constant 0 : i32
      %dma_start3A_938 = tpu.memref_slice %arg4[%add3A_931, %dma_start3A_937] : memref<100000x128xf32, #tpu.memory_space<hbm>> -> memref<128x128xf32, #tpu.memory_space<hbm>>
      %dma_start3A_939 = arith.constant 0 : i32
      %dma_start3A_940 = arith.constant 0 : i32
      %dma_start3A_941 = tpu.memref_slice %arg7[%dma_start3A_939, %dma_start3A_940] : memref<128x128xf32, #tpu.memory_space<vmem>> -> memref<128x128xf32, #tpu.memory_space<vmem>>
      tpu.enqueue_dma source(%dma_start3A_941 : memref<128x128xf32, #tpu.memory_space<vmem>>) target(%dma_start3A_938 : memref<128x128xf32, #tpu.memory_space<hbm>>) target_semaphore(%arg11 : memref<!tpu.dma_semaphore, #tpu.memory_space<semaphore_mem>>)
      %dma_wait3A_942 = arith.constant 0 : i32
      %dma_wait3A_943 = arith.constant 0 : i32
      %dma_wait3A_944 = tpu.memref_slice %arg8[%dma_wait3A_942, %dma_wait3A_943] : memref<128x128xf32, #tpu.memory_space<vmem>> -> memref<128x128xf32, #tpu.memory_space<vmem>>
      %dma_wait3A_945 = arith.constant 0 : i32
      %dma_wait3A_946 = tpu.memref_slice %arg4[%add3A_911, %dma_wait3A_945] : memref<100000x128xf32, #tpu.memory_space<hbm>> -> memref<128x128xf32, #tpu.memory_space<hbm>>
      %dma_wait3A_947 = arith.constant 0 : i32
      %dma_wait3A_948 = tpu.memref_slice %arg4[%add3A_911, %dma_wait3A_947] : memref<100000x128xf32, #tpu.memory_space<hbm>> -> memref<128x128xf32, #tpu.memory_space<hbm>>
      %dma_wait3A_949 = arith.constant 0 : i32
      %dma_wait3A_950 = arith.constant 0 : i32
      %dma_wait3A_951 = tpu.memref_slice %arg8[%dma_wait3A_949, %dma_wait3A_950] : memref<128x128xf32, #tpu.memory_space<vmem>> -> memref<128x128xf32, #tpu.memory_space<vmem>>
      tpu.wait_dma2 semaphore(%arg12 : memref<!tpu.dma_semaphore, #tpu.memory_space<semaphore_mem>>) src(%dma_wait3A_951 : memref<128x128xf32, #tpu.memory_space<vmem>>) dst(%dma_wait3A_948 : memref<128x128xf32, #tpu.memory_space<hbm>>)
      %dma_wait3A_952 = arith.constant 0 : i32
      %dma_wait3A_953 = arith.constant 0 : i32
      %dma_wait3A_954 = tpu.memref_slice %arg7[%dma_wait3A_952, %dma_wait3A_953] : memref<128x128xf32, #tpu.memory_space<vmem>> -> memref<128x128xf32, #tpu.memory_space<vmem>>
      %dma_wait3A_955 = arith.constant 0 : i32
      %dma_wait3A_956 = tpu.memref_slice %arg4[%add3A_931, %dma_wait3A_955] : memref<100000x128xf32, #tpu.memory_space<hbm>> -> memref<128x128xf32, #tpu.memory_space<hbm>>
      %dma_wait3A_957 = arith.constant 0 : i32
      %dma_wait3A_958 = tpu.memref_slice %arg4[%add3A_931, %dma_wait3A_957] : memref<100000x128xf32, #tpu.memory_space<hbm>> -> memref<128x128xf32, #tpu.memory_space<hbm>>
      %dma_wait3A_959 = arith.constant 0 : i32
      %dma_wait3A_960 = arith.constant 0 : i32
      %dma_wait3A_961 = tpu.memref_slice %arg7[%dma_wait3A_959, %dma_wait3A_960] : memref<128x128xf32, #tpu.memory_space<vmem>> -> memref<128x128xf32, #tpu.memory_space<vmem>>
      tpu.wait_dma2 semaphore(%arg11 : memref<!tpu.dma_semaphore, #tpu.memory_space<semaphore_mem>>) src(%dma_wait3A_961 : memref<128x128xf32, #tpu.memory_space<vmem>>) dst(%dma_wait3A_958 : memref<128x128xf32, #tpu.memory_space<hbm>>)
    } else {
    }
    %eq3A_9 = arith.constant 31 : i32
    %eq3A_10 = arith.cmpi eq, %add3A, %eq3A_9 : i32
    %convert_element_type3A_11 = arith.extui %eq3A_10 : i1 to i32
    %cond3A_12 = arith.constant 0 : i32
    %cond3A_13 = arith.cmpi ne, %convert_element_type3A_11, %cond3A_12 : i32
    scf.if %cond3A_13 {
      "tpu.region"() ({
        %run_scoped3A = tpu.sem_alloc : memref<!tpu.dma_semaphore, #tpu.memory_space<semaphore_mem>>
        %dma_start3A_278 = arith.constant 0 : i32
        %dma_start3A_279 = tpu.memref_slice %arg5[%dma_start3A_278] : memref<3200xi32, #tpu.memory_space<vmem>> -> memref<800xi32, #tpu.memory_space<vmem>>
        %dma_start3A_280 = tpu.memref_slice %arg3[%mul3A_2] : memref<100000xi32, #tpu.memory_space<hbm>> -> memref<800xi32, #tpu.memory_space<hbm>>
        %dma_start3A_281 = arith.constant 0 : i32
        %dma_start3A_282 = tpu.memref_slice %arg5[%dma_start3A_281] : memref<3200xi32, #tpu.memory_space<vmem>> -> memref<800xi32, #tpu.memory_space<vmem>>
        %dma_start3A_283 = tpu.memref_slice %arg3[%mul3A_2] : memref<100000xi32, #tpu.memory_space<hbm>> -> memref<800xi32, #tpu.memory_space<hbm>>
        tpu.enqueue_dma source(%dma_start3A_283 : memref<800xi32, #tpu.memory_space<hbm>>) target(%dma_start3A_282 : memref<800xi32, #tpu.memory_space<vmem>>) target_semaphore(%run_scoped3A : memref<!tpu.dma_semaphore, #tpu.memory_space<semaphore_mem>>)
        %dma_wait3A_284 = arith.constant 0 : i32
        %dma_wait3A_285 = tpu.memref_slice %arg5[%dma_wait3A_284] : memref<3200xi32, #tpu.memory_space<vmem>> -> memref<800xi32, #tpu.memory_space<vmem>>
        %dma_wait3A_286 = tpu.memref_slice %arg3[%mul3A_2] : memref<100000xi32, #tpu.memory_space<hbm>> -> memref<800xi32, #tpu.memory_space<hbm>>
        %dma_wait3A_287 = arith.constant 0 : i32
        %dma_wait3A_288 = tpu.memref_slice %arg5[%dma_wait3A_287] : memref<3200xi32, #tpu.memory_space<vmem>> -> memref<800xi32, #tpu.memory_space<vmem>>
        %dma_wait3A_289 = tpu.memref_slice %arg3[%mul3A_2] : memref<100000xi32, #tpu.memory_space<hbm>> -> memref<800xi32, #tpu.memory_space<hbm>>
        tpu.wait_dma2 semaphore(%run_scoped3A : memref<!tpu.dma_semaphore, #tpu.memory_space<semaphore_mem>>) src(%dma_wait3A_289 : memref<800xi32, #tpu.memory_space<hbm>>) dst(%dma_wait3A_288 : memref<800xi32, #tpu.memory_space<vmem>>)
        tpu.yield
      }) : () -> ()
      %barrier3A = arith.constant 0 : index
      tpu.barrier barrier_id(%barrier3A)
      %dma_start3A = arith.constant 0 : i32
      %dma_start3A_14 = arith.constant 0 : i32
      %dma_start3A_15 = tpu.memref_slice %arg7[%dma_start3A, %dma_start3A_14] : memref<128x128xf32, #tpu.memory_space<vmem>> -> memref<128x128xf32, #tpu.memory_space<vmem>>
      %dma_start3A_16 = arith.constant 0 : i32
      %dma_start3A_17 = tpu.memref_slice %arg5[%dma_start3A_16] : memref<3200xi32, #tpu.memory_space<vmem>> -> memref<128xi32, #tpu.memory_space<vmem>>
      %dma_start3A_18 = arith.constant 0 : i32
      %dma_start3A_19 = arith.constant 0 : i32
      %dma_start3A_20 = tpu.memref_slice %arg6[%dma_start3A_18, %dma_start3A_19] : memref<56x128xf32, #tpu.memory_space<vmem_shared>> -> memref<56x128xf32, #tpu.memory_space<vmem_shared>>
      tpu.enqueue_indirect_dma source(%dma_start3A_20 : memref<56x128xf32, #tpu.memory_space<vmem_shared>>) target(%dma_start3A_15 : memref<128x128xf32, #tpu.memory_space<vmem>>) offsets(%dma_start3A_17 : memref<128xi32, #tpu.memory_space<vmem>>) semaphore(%arg9 : memref<!tpu.dma_semaphore, #tpu.memory_space<semaphore_mem>>)
      %dma_start3A_21 = arith.constant 0 : i32
      %dma_start3A_22 = arith.constant 0 : i32
      %dma_start3A_23 = tpu.memref_slice %arg8[%dma_start3A_21, %dma_start3A_22] : memref<128x128xf32, #tpu.memory_space<vmem>> -> memref<128x128xf32, #tpu.memory_space<vmem>>
      %dma_start3A_24 = arith.constant 128 : i32
      %dma_start3A_25 = tpu.memref_slice %arg5[%dma_start3A_24] : memref<3200xi32, #tpu.memory_space<vmem>> -> memref<128xi32, #tpu.memory_space<vmem>>
      %dma_start3A_26 = arith.constant 0 : i32
      %dma_start3A_27 = arith.constant 0 : i32
      %dma_start3A_28 = tpu.memref_slice %arg6[%dma_start3A_26, %dma_start3A_27] : memref<56x128xf32, #tpu.memory_space<vmem_shared>> -> memref<56x128xf32, #tpu.memory_space<vmem_shared>>
      tpu.enqueue_indirect_dma source(%dma_start3A_28 : memref<56x128xf32, #tpu.memory_space<vmem_shared>>) target(%dma_start3A_23 : memref<128x128xf32, #tpu.memory_space<vmem>>) offsets(%dma_start3A_25 : memref<128xi32, #tpu.memory_space<vmem>>) semaphore(%arg10 : memref<!tpu.dma_semaphore, #tpu.memory_space<semaphore_mem>>)
      %dma_wait3A = arith.constant 0 : i32
      %dma_wait3A_29 = arith.constant 0 : i32
      %dma_wait3A_30 = tpu.memref_slice %arg7[%dma_wait3A, %dma_wait3A_29] : memref<128x128xf32, #tpu.memory_space<vmem>> -> memref<128x128xf32, #tpu.memory_space<vmem>>
      %dma_wait3A_31 = arith.constant 0 : i32
      %dma_wait3A_32 = tpu.memref_slice %arg5[%dma_wait3A_31] : memref<3200xi32, #tpu.memory_space<vmem>> -> memref<128xi32, #tpu.memory_space<vmem>>
      %dma_wait3A_33 = arith.constant 0 : i32
      %dma_wait3A_34 = arith.constant 0 : i32
      %dma_wait3A_35 = tpu.memref_slice %arg6[%dma_wait3A_33, %dma_wait3A_34] : memref<56x128xf32, #tpu.memory_space<vmem_shared>> -> memref<56x128xf32, #tpu.memory_space<vmem_shared>>
      tpu.wait_indirect_dma semaphore(%arg9 : memref<!tpu.dma_semaphore, #tpu.memory_space<semaphore_mem>>) src(%dma_wait3A_35 : memref<56x128xf32, #tpu.memory_space<vmem_shared>>) dst(%dma_wait3A_30 : memref<128x128xf32, #tpu.memory_space<vmem>>)
      %add3A_36 = arith.constant 0 : i32
      %add3A_37 = arith.addi %mul3A_2, %add3A_36 : i32
      %dma_start3A_38 = arith.constant 0 : i32
      %dma_start3A_39 = arith.constant 0 : i32
      %dma_start3A_40 = tpu.memref_slice %arg7[%dma_start3A_38, %dma_start3A_39] : memref<128x128xf32, #tpu.memory_space<vmem>> -> memref<128x128xf32, #tpu.memory_space<vmem>>
      %dma_start3A_41 = arith.constant 0 : i32
      %dma_start3A_42 = tpu.memref_slice %arg4[%add3A_37, %dma_start3A_41] : memref<100000x128xf32, #tpu.memory_space<hbm>> -> memref<128x128xf32, #tpu.memory_space<hbm>>
      %dma_start3A_43 = arith.constant 0 : i32
      %dma_start3A_44 = tpu.memref_slice %arg4[%add3A_37, %dma_start3A_43] : memref<100000x128xf32, #tpu.memory_space<hbm>> -> memref<128x128xf32, #tpu.memory_space<hbm>>
      %dma_start3A_45 = arith.constant 0 : i32
      %dma_start3A_46 = arith.constant 0 : i32
      %dma_start3A_47 = tpu.memref_slice %arg7[%dma_start3A_45, %dma_start3A_46] : memref<128x128xf32, #tpu.memory_space<vmem>> -> memref<128x128xf32, #tpu.memory_space<vmem>>
      tpu.enqueue_dma source(%dma_start3A_47 : memref<128x128xf32, #tpu.memory_space<vmem>>) target(%dma_start3A_44 : memref<128x128xf32, #tpu.memory_space<hbm>>) target_semaphore(%arg11 : memref<!tpu.dma_semaphore, #tpu.memory_space<semaphore_mem>>)
      %dma_wait3A_48 = arith.constant 0 : i32
      %dma_wait3A_49 = arith.constant 0 : i32
      %dma_wait3A_50 = tpu.memref_slice %arg7[%dma_wait3A_48, %dma_wait3A_49] : memref<128x128xf32, #tpu.memory_space<vmem>> -> memref<128x128xf32, #tpu.memory_space<vmem>>
      %dma_wait3A_51 = arith.constant 0 : i32
      %dma_wait3A_52 = tpu.memref_slice %arg4[%add3A_37, %dma_wait3A_51] : memref<100000x128xf32, #tpu.memory_space<hbm>> -> memref<128x128xf32, #tpu.memory_space<hbm>>
      %dma_wait3A_53 = arith.constant 0 : i32
      %dma_wait3A_54 = tpu.memref_slice %arg4[%add3A_37, %dma_wait3A_53] : memref<100000x128xf32, #tpu.memory_space<hbm>> -> memref<128x128xf32, #tpu.memory_space<hbm>>
      %dma_wait3A_55 = arith.constant 0 : i32
      %dma_wait3A_56 = arith.constant 0 : i32
      %dma_wait3A_57 = tpu.memref_slice %arg7[%dma_wait3A_55, %dma_wait3A_56] : memref<128x128xf32, #tpu.memory_space<vmem>> -> memref<128x128xf32, #tpu.memory_space<vmem>>
      tpu.wait_dma2 semaphore(%arg11 : memref<!tpu.dma_semaphore, #tpu.memory_space<semaphore_mem>>) src(%dma_wait3A_57 : memref<128x128xf32, #tpu.memory_space<vmem>>) dst(%dma_wait3A_54 : memref<128x128xf32, #tpu.memory_space<hbm>>)
      %dma_start3A_58 = arith.constant 0 : i32
      %dma_start3A_59 = arith.constant 0 : i32
      %dma_start3A_60 = tpu.memref_slice %arg7[%dma_start3A_58, %dma_start3A_59] : memref<128x128xf32, #tpu.memory_space<vmem>> -> memref<128x128xf32, #tpu.memory_space<vmem>>
      %dma_start3A_61 = arith.constant 256 : i32
      %dma_start3A_62 = tpu.memref_slice %arg5[%dma_start3A_61] : memref<3200xi32, #tpu.memory_space<vmem>> -> memref<128xi32, #tpu.memory_space<vmem>>
      %dma_start3A_63 = arith.constant 0 : i32
      %dma_start3A_64 = arith.constant 0 : i32
      %dma_start3A_65 = tpu.memref_slice %arg6[%dma_start3A_63, %dma_start3A_64] : memref<56x128xf32, #tpu.memory_space<vmem_shared>> -> memref<56x128xf32, #tpu.memory_space<vmem_shared>>
      tpu.enqueue_indirect_dma source(%dma_start3A_65 : memref<56x128xf32, #tpu.memory_space<vmem_shared>>) target(%dma_start3A_60 : memref<128x128xf32, #tpu.memory_space<vmem>>) offsets(%dma_start3A_62 : memref<128xi32, #tpu.memory_space<vmem>>) semaphore(%arg9 : memref<!tpu.dma_semaphore, #tpu.memory_space<semaphore_mem>>)
      %dma_wait3A_66 = arith.constant 0 : i32
      %dma_wait3A_67 = arith.constant 0 : i32
      %dma_wait3A_68 = tpu.memref_slice %arg8[%dma_wait3A_66, %dma_wait3A_67] : memref<128x128xf32, #tpu.memory_space<vmem>> -> memref<128x128xf32, #tpu.memory_space<vmem>>
      %dma_wait3A_69 = arith.constant 128 : i32
      %dma_wait3A_70 = tpu.memref_slice %arg5[%dma_wait3A_69] : memref<3200xi32, #tpu.memory_space<vmem>> -> memref<128xi32, #tpu.memory_space<vmem>>
      %dma_wait3A_71 = arith.constant 0 : i32
      %dma_wait3A_72 = arith.constant 0 : i32
      %dma_wait3A_73 = tpu.memref_slice %arg6[%dma_wait3A_71, %dma_wait3A_72] : memref<56x128xf32, #tpu.memory_space<vmem_shared>> -> memref<56x128xf32, #tpu.memory_space<vmem_shared>>
      tpu.wait_indirect_dma semaphore(%arg10 : memref<!tpu.dma_semaphore, #tpu.memory_space<semaphore_mem>>) src(%dma_wait3A_73 : memref<56x128xf32, #tpu.memory_space<vmem_shared>>) dst(%dma_wait3A_68 : memref<128x128xf32, #tpu.memory_space<vmem>>)
      %add3A_74 = arith.constant 128 : i32
      %add3A_75 = arith.addi %mul3A_2, %add3A_74 : i32
      %dma_start3A_76 = arith.constant 0 : i32
      %dma_start3A_77 = arith.constant 0 : i32
      %dma_start3A_78 = tpu.memref_slice %arg8[%dma_start3A_76, %dma_start3A_77] : memref<128x128xf32, #tpu.memory_space<vmem>> -> memref<128x128xf32, #tpu.memory_space<vmem>>
      %dma_start3A_79 = arith.constant 0 : i32
      %dma_start3A_80 = tpu.memref_slice %arg4[%add3A_75, %dma_start3A_79] : memref<100000x128xf32, #tpu.memory_space<hbm>> -> memref<128x128xf32, #tpu.memory_space<hbm>>
      %dma_start3A_81 = arith.constant 0 : i32
      %dma_start3A_82 = tpu.memref_slice %arg4[%add3A_75, %dma_start3A_81] : memref<100000x128xf32, #tpu.memory_space<hbm>> -> memref<128x128xf32, #tpu.memory_space<hbm>>
      %dma_start3A_83 = arith.constant 0 : i32
      %dma_start3A_84 = arith.constant 0 : i32
      %dma_start3A_85 = tpu.memref_slice %arg8[%dma_start3A_83, %dma_start3A_84] : memref<128x128xf32, #tpu.memory_space<vmem>> -> memref<128x128xf32, #tpu.memory_space<vmem>>
      tpu.enqueue_dma source(%dma_start3A_85 : memref<128x128xf32, #tpu.memory_space<vmem>>) target(%dma_start3A_82 : memref<128x128xf32, #tpu.memory_space<hbm>>) target_semaphore(%arg12 : memref<!tpu.dma_semaphore, #tpu.memory_space<semaphore_mem>>)
      %dma_wait3A_86 = arith.constant 0 : i32
      %dma_wait3A_87 = arith.constant 0 : i32
      %dma_wait3A_88 = tpu.memref_slice %arg8[%dma_wait3A_86, %dma_wait3A_87] : memref<128x128xf32, #tpu.memory_space<vmem>> -> memref<128x128xf32, #tpu.memory_space<vmem>>
      %dma_wait3A_89 = arith.constant 0 : i32
      %dma_wait3A_90 = tpu.memref_slice %arg4[%add3A_75, %dma_wait3A_89] : memref<100000x128xf32, #tpu.memory_space<hbm>> -> memref<128x128xf32, #tpu.memory_space<hbm>>
      %dma_wait3A_91 = arith.constant 0 : i32
      %dma_wait3A_92 = tpu.memref_slice %arg4[%add3A_75, %dma_wait3A_91] : memref<100000x128xf32, #tpu.memory_space<hbm>> -> memref<128x128xf32, #tpu.memory_space<hbm>>
      %dma_wait3A_93 = arith.constant 0 : i32
      %dma_wait3A_94 = arith.constant 0 : i32
      %dma_wait3A_95 = tpu.memref_slice %arg8[%dma_wait3A_93, %dma_wait3A_94] : memref<128x128xf32, #tpu.memory_space<vmem>> -> memref<128x128xf32, #tpu.memory_space<vmem>>
      tpu.wait_dma2 semaphore(%arg12 : memref<!tpu.dma_semaphore, #tpu.memory_space<semaphore_mem>>) src(%dma_wait3A_95 : memref<128x128xf32, #tpu.memory_space<vmem>>) dst(%dma_wait3A_92 : memref<128x128xf32, #tpu.memory_space<hbm>>)
      %dma_start3A_96 = arith.constant 0 : i32
      %dma_start3A_97 = arith.constant 0 : i32
      %dma_start3A_98 = tpu.memref_slice %arg8[%dma_start3A_96, %dma_start3A_97] : memref<128x128xf32, #tpu.memory_space<vmem>> -> memref<128x128xf32, #tpu.memory_space<vmem>>
      %dma_start3A_99 = arith.constant 384 : i32
      %dma_start3A_100 = tpu.memref_slice %arg5[%dma_start3A_99] : memref<3200xi32, #tpu.memory_space<vmem>> -> memref<128xi32, #tpu.memory_space<vmem>>
      %dma_start3A_101 = arith.constant 0 : i32
      %dma_start3A_102 = arith.constant 0 : i32
      %dma_start3A_103 = tpu.memref_slice %arg6[%dma_start3A_101, %dma_start3A_102] : memref<56x128xf32, #tpu.memory_space<vmem_shared>> -> memref<56x128xf32, #tpu.memory_space<vmem_shared>>
      tpu.enqueue_indirect_dma source(%dma_start3A_103 : memref<56x128xf32, #tpu.memory_space<vmem_shared>>) target(%dma_start3A_98 : memref<128x128xf32, #tpu.memory_space<vmem>>) offsets(%dma_start3A_100 : memref<128xi32, #tpu.memory_space<vmem>>) semaphore(%arg10 : memref<!tpu.dma_semaphore, #tpu.memory_space<semaphore_mem>>)
      %dma_wait3A_104 = arith.constant 0 : i32
      %dma_wait3A_105 = arith.constant 0 : i32
      %dma_wait3A_106 = tpu.memref_slice %arg7[%dma_wait3A_104, %dma_wait3A_105] : memref<128x128xf32, #tpu.memory_space<vmem>> -> memref<128x128xf32, #tpu.memory_space<vmem>>
      %dma_wait3A_107 = arith.constant 256 : i32
      %dma_wait3A_108 = tpu.memref_slice %arg5[%dma_wait3A_107] : memref<3200xi32, #tpu.memory_space<vmem>> -> memref<128xi32, #tpu.memory_space<vmem>>
      %dma_wait3A_109 = arith.constant 0 : i32
      %dma_wait3A_110 = arith.constant 0 : i32
      %dma_wait3A_111 = tpu.memref_slice %arg6[%dma_wait3A_109, %dma_wait3A_110] : memref<56x128xf32, #tpu.memory_space<vmem_shared>> -> memref<56x128xf32, #tpu.memory_space<vmem_shared>>
      tpu.wait_indirect_dma semaphore(%arg9 : memref<!tpu.dma_semaphore, #tpu.memory_space<semaphore_mem>>) src(%dma_wait3A_111 : memref<56x128xf32, #tpu.memory_space<vmem_shared>>) dst(%dma_wait3A_106 : memref<128x128xf32, #tpu.memory_space<vmem>>)
      %add3A_112 = arith.constant 256 : i32
      %add3A_113 = arith.addi %mul3A_2, %add3A_112 : i32
      %dma_start3A_114 = arith.constant 0 : i32
      %dma_start3A_115 = arith.constant 0 : i32
      %dma_start3A_116 = tpu.memref_slice %arg7[%dma_start3A_114, %dma_start3A_115] : memref<128x128xf32, #tpu.memory_space<vmem>> -> memref<128x128xf32, #tpu.memory_space<vmem>>
      %dma_start3A_117 = arith.constant 0 : i32
      %dma_start3A_118 = tpu.memref_slice %arg4[%add3A_113, %dma_start3A_117] : memref<100000x128xf32, #tpu.memory_space<hbm>> -> memref<128x128xf32, #tpu.memory_space<hbm>>
      %dma_start3A_119 = arith.constant 0 : i32
      %dma_start3A_120 = tpu.memref_slice %arg4[%add3A_113, %dma_start3A_119] : memref<100000x128xf32, #tpu.memory_space<hbm>> -> memref<128x128xf32, #tpu.memory_space<hbm>>
      %dma_start3A_121 = arith.constant 0 : i32
      %dma_start3A_122 = arith.constant 0 : i32
      %dma_start3A_123 = tpu.memref_slice %arg7[%dma_start3A_121, %dma_start3A_122] : memref<128x128xf32, #tpu.memory_space<vmem>> -> memref<128x128xf32, #tpu.memory_space<vmem>>
      tpu.enqueue_dma source(%dma_start3A_123 : memref<128x128xf32, #tpu.memory_space<vmem>>) target(%dma_start3A_120 : memref<128x128xf32, #tpu.memory_space<hbm>>) target_semaphore(%arg11 : memref<!tpu.dma_semaphore, #tpu.memory_space<semaphore_mem>>)
      %dma_wait3A_124 = arith.constant 0 : i32
      %dma_wait3A_125 = arith.constant 0 : i32
      %dma_wait3A_126 = tpu.memref_slice %arg7[%dma_wait3A_124, %dma_wait3A_125] : memref<128x128xf32, #tpu.memory_space<vmem>> -> memref<128x128xf32, #tpu.memory_space<vmem>>
      %dma_wait3A_127 = arith.constant 0 : i32
      %dma_wait3A_128 = tpu.memref_slice %arg4[%add3A_113, %dma_wait3A_127] : memref<100000x128xf32, #tpu.memory_space<hbm>> -> memref<128x128xf32, #tpu.memory_space<hbm>>
      %dma_wait3A_129 = arith.constant 0 : i32
      %dma_wait3A_130 = tpu.memref_slice %arg4[%add3A_113, %dma_wait3A_129] : memref<100000x128xf32, #tpu.memory_space<hbm>> -> memref<128x128xf32, #tpu.memory_space<hbm>>
      %dma_wait3A_131 = arith.constant 0 : i32
      %dma_wait3A_132 = arith.constant 0 : i32
      %dma_wait3A_133 = tpu.memref_slice %arg7[%dma_wait3A_131, %dma_wait3A_132] : memref<128x128xf32, #tpu.memory_space<vmem>> -> memref<128x128xf32, #tpu.memory_space<vmem>>
      tpu.wait_dma2 semaphore(%arg11 : memref<!tpu.dma_semaphore, #tpu.memory_space<semaphore_mem>>) src(%dma_wait3A_133 : memref<128x128xf32, #tpu.memory_space<vmem>>) dst(%dma_wait3A_130 : memref<128x128xf32, #tpu.memory_space<hbm>>)
      %dma_start3A_134 = arith.constant 0 : i32
      %dma_start3A_135 = arith.constant 0 : i32
      %dma_start3A_136 = tpu.memref_slice %arg7[%dma_start3A_134, %dma_start3A_135] : memref<128x128xf32, #tpu.memory_space<vmem>> -> memref<128x128xf32, #tpu.memory_space<vmem>>
      %dma_start3A_137 = arith.constant 512 : i32
      %dma_start3A_138 = tpu.memref_slice %arg5[%dma_start3A_137] : memref<3200xi32, #tpu.memory_space<vmem>> -> memref<128xi32, #tpu.memory_space<vmem>>
      %dma_start3A_139 = arith.constant 0 : i32
      %dma_start3A_140 = arith.constant 0 : i32
      %dma_start3A_141 = tpu.memref_slice %arg6[%dma_start3A_139, %dma_start3A_140] : memref<56x128xf32, #tpu.memory_space<vmem_shared>> -> memref<56x128xf32, #tpu.memory_space<vmem_shared>>
      tpu.enqueue_indirect_dma source(%dma_start3A_141 : memref<56x128xf32, #tpu.memory_space<vmem_shared>>) target(%dma_start3A_136 : memref<128x128xf32, #tpu.memory_space<vmem>>) offsets(%dma_start3A_138 : memref<128xi32, #tpu.memory_space<vmem>>) semaphore(%arg9 : memref<!tpu.dma_semaphore, #tpu.memory_space<semaphore_mem>>)
      %dma_wait3A_142 = arith.constant 0 : i32
      %dma_wait3A_143 = arith.constant 0 : i32
      %dma_wait3A_144 = tpu.memref_slice %arg8[%dma_wait3A_142, %dma_wait3A_143] : memref<128x128xf32, #tpu.memory_space<vmem>> -> memref<128x128xf32, #tpu.memory_space<vmem>>
      %dma_wait3A_145 = arith.constant 384 : i32
      %dma_wait3A_146 = tpu.memref_slice %arg5[%dma_wait3A_145] : memref<3200xi32, #tpu.memory_space<vmem>> -> memref<128xi32, #tpu.memory_space<vmem>>
      %dma_wait3A_147 = arith.constant 0 : i32
      %dma_wait3A_148 = arith.constant 0 : i32
      %dma_wait3A_149 = tpu.memref_slice %arg6[%dma_wait3A_147, %dma_wait3A_148] : memref<56x128xf32, #tpu.memory_space<vmem_shared>> -> memref<56x128xf32, #tpu.memory_space<vmem_shared>>
      tpu.wait_indirect_dma semaphore(%arg10 : memref<!tpu.dma_semaphore, #tpu.memory_space<semaphore_mem>>) src(%dma_wait3A_149 : memref<56x128xf32, #tpu.memory_space<vmem_shared>>) dst(%dma_wait3A_144 : memref<128x128xf32, #tpu.memory_space<vmem>>)
      %add3A_150 = arith.constant 384 : i32
      %add3A_151 = arith.addi %mul3A_2, %add3A_150 : i32
      %dma_start3A_152 = arith.constant 0 : i32
      %dma_start3A_153 = arith.constant 0 : i32
      %dma_start3A_154 = tpu.memref_slice %arg8[%dma_start3A_152, %dma_start3A_153] : memref<128x128xf32, #tpu.memory_space<vmem>> -> memref<128x128xf32, #tpu.memory_space<vmem>>
      %dma_start3A_155 = arith.constant 0 : i32
      %dma_start3A_156 = tpu.memref_slice %arg4[%add3A_151, %dma_start3A_155] : memref<100000x128xf32, #tpu.memory_space<hbm>> -> memref<128x128xf32, #tpu.memory_space<hbm>>
      %dma_start3A_157 = arith.constant 0 : i32
      %dma_start3A_158 = tpu.memref_slice %arg4[%add3A_151, %dma_start3A_157] : memref<100000x128xf32, #tpu.memory_space<hbm>> -> memref<128x128xf32, #tpu.memory_space<hbm>>
      %dma_start3A_159 = arith.constant 0 : i32
      %dma_start3A_160 = arith.constant 0 : i32
      %dma_start3A_161 = tpu.memref_slice %arg8[%dma_start3A_159, %dma_start3A_160] : memref<128x128xf32, #tpu.memory_space<vmem>> -> memref<128x128xf32, #tpu.memory_space<vmem>>
      tpu.enqueue_dma source(%dma_start3A_161 : memref<128x128xf32, #tpu.memory_space<vmem>>) target(%dma_start3A_158 : memref<128x128xf32, #tpu.memory_space<hbm>>) target_semaphore(%arg12 : memref<!tpu.dma_semaphore, #tpu.memory_space<semaphore_mem>>)
      %dma_wait3A_162 = arith.constant 0 : i32
      %dma_wait3A_163 = arith.constant 0 : i32
      %dma_wait3A_164 = tpu.memref_slice %arg8[%dma_wait3A_162, %dma_wait3A_163] : memref<128x128xf32, #tpu.memory_space<vmem>> -> memref<128x128xf32, #tpu.memory_space<vmem>>
      %dma_wait3A_165 = arith.constant 0 : i32
      %dma_wait3A_166 = tpu.memref_slice %arg4[%add3A_151, %dma_wait3A_165] : memref<100000x128xf32, #tpu.memory_space<hbm>> -> memref<128x128xf32, #tpu.memory_space<hbm>>
      %dma_wait3A_167 = arith.constant 0 : i32
      %dma_wait3A_168 = tpu.memref_slice %arg4[%add3A_151, %dma_wait3A_167] : memref<100000x128xf32, #tpu.memory_space<hbm>> -> memref<128x128xf32, #tpu.memory_space<hbm>>
      %dma_wait3A_169 = arith.constant 0 : i32
      %dma_wait3A_170 = arith.constant 0 : i32
      %dma_wait3A_171 = tpu.memref_slice %arg8[%dma_wait3A_169, %dma_wait3A_170] : memref<128x128xf32, #tpu.memory_space<vmem>> -> memref<128x128xf32, #tpu.memory_space<vmem>>
      tpu.wait_dma2 semaphore(%arg12 : memref<!tpu.dma_semaphore, #tpu.memory_space<semaphore_mem>>) src(%dma_wait3A_171 : memref<128x128xf32, #tpu.memory_space<vmem>>) dst(%dma_wait3A_168 : memref<128x128xf32, #tpu.memory_space<hbm>>)
      %dma_start3A_172 = arith.constant 0 : i32
      %dma_start3A_173 = arith.constant 0 : i32
      %dma_start3A_174 = tpu.memref_slice %arg8[%dma_start3A_172, %dma_start3A_173] : memref<128x128xf32, #tpu.memory_space<vmem>> -> memref<128x128xf32, #tpu.memory_space<vmem>>
      %dma_start3A_175 = arith.constant 640 : i32
      %dma_start3A_176 = tpu.memref_slice %arg5[%dma_start3A_175] : memref<3200xi32, #tpu.memory_space<vmem>> -> memref<128xi32, #tpu.memory_space<vmem>>
      %dma_start3A_177 = arith.constant 0 : i32
      %dma_start3A_178 = arith.constant 0 : i32
      %dma_start3A_179 = tpu.memref_slice %arg6[%dma_start3A_177, %dma_start3A_178] : memref<56x128xf32, #tpu.memory_space<vmem_shared>> -> memref<56x128xf32, #tpu.memory_space<vmem_shared>>
      tpu.enqueue_indirect_dma source(%dma_start3A_179 : memref<56x128xf32, #tpu.memory_space<vmem_shared>>) target(%dma_start3A_174 : memref<128x128xf32, #tpu.memory_space<vmem>>) offsets(%dma_start3A_176 : memref<128xi32, #tpu.memory_space<vmem>>) semaphore(%arg10 : memref<!tpu.dma_semaphore, #tpu.memory_space<semaphore_mem>>)
      %dma_wait3A_180 = arith.constant 0 : i32
      %dma_wait3A_181 = arith.constant 0 : i32
      %dma_wait3A_182 = tpu.memref_slice %arg7[%dma_wait3A_180, %dma_wait3A_181] : memref<128x128xf32, #tpu.memory_space<vmem>> -> memref<128x128xf32, #tpu.memory_space<vmem>>
      %dma_wait3A_183 = arith.constant 512 : i32
      %dma_wait3A_184 = tpu.memref_slice %arg5[%dma_wait3A_183] : memref<3200xi32, #tpu.memory_space<vmem>> -> memref<128xi32, #tpu.memory_space<vmem>>
      %dma_wait3A_185 = arith.constant 0 : i32
      %dma_wait3A_186 = arith.constant 0 : i32
      %dma_wait3A_187 = tpu.memref_slice %arg6[%dma_wait3A_185, %dma_wait3A_186] : memref<56x128xf32, #tpu.memory_space<vmem_shared>> -> memref<56x128xf32, #tpu.memory_space<vmem_shared>>
      tpu.wait_indirect_dma semaphore(%arg9 : memref<!tpu.dma_semaphore, #tpu.memory_space<semaphore_mem>>) src(%dma_wait3A_187 : memref<56x128xf32, #tpu.memory_space<vmem_shared>>) dst(%dma_wait3A_182 : memref<128x128xf32, #tpu.memory_space<vmem>>)
      %add3A_188 = arith.constant 512 : i32
      %add3A_189 = arith.addi %mul3A_2, %add3A_188 : i32
      %dma_start3A_190 = arith.constant 0 : i32
      %dma_start3A_191 = arith.constant 0 : i32
      %dma_start3A_192 = tpu.memref_slice %arg7[%dma_start3A_190, %dma_start3A_191] : memref<128x128xf32, #tpu.memory_space<vmem>> -> memref<128x128xf32, #tpu.memory_space<vmem>>
      %dma_start3A_193 = arith.constant 0 : i32
      %dma_start3A_194 = tpu.memref_slice %arg4[%add3A_189, %dma_start3A_193] : memref<100000x128xf32, #tpu.memory_space<hbm>> -> memref<128x128xf32, #tpu.memory_space<hbm>>
      %dma_start3A_195 = arith.constant 0 : i32
      %dma_start3A_196 = tpu.memref_slice %arg4[%add3A_189, %dma_start3A_195] : memref<100000x128xf32, #tpu.memory_space<hbm>> -> memref<128x128xf32, #tpu.memory_space<hbm>>
      %dma_start3A_197 = arith.constant 0 : i32
      %dma_start3A_198 = arith.constant 0 : i32
      %dma_start3A_199 = tpu.memref_slice %arg7[%dma_start3A_197, %dma_start3A_198] : memref<128x128xf32, #tpu.memory_space<vmem>> -> memref<128x128xf32, #tpu.memory_space<vmem>>
      tpu.enqueue_dma source(%dma_start3A_199 : memref<128x128xf32, #tpu.memory_space<vmem>>) target(%dma_start3A_196 : memref<128x128xf32, #tpu.memory_space<hbm>>) target_semaphore(%arg11 : memref<!tpu.dma_semaphore, #tpu.memory_space<semaphore_mem>>)
      %dma_wait3A_200 = arith.constant 0 : i32
      %dma_wait3A_201 = arith.constant 0 : i32
      %dma_wait3A_202 = tpu.memref_slice %arg7[%dma_wait3A_200, %dma_wait3A_201] : memref<128x128xf32, #tpu.memory_space<vmem>> -> memref<128x128xf32, #tpu.memory_space<vmem>>
      %dma_wait3A_203 = arith.constant 0 : i32
      %dma_wait3A_204 = tpu.memref_slice %arg4[%add3A_189, %dma_wait3A_203] : memref<100000x128xf32, #tpu.memory_space<hbm>> -> memref<128x128xf32, #tpu.memory_space<hbm>>
      %dma_wait3A_205 = arith.constant 0 : i32
      %dma_wait3A_206 = tpu.memref_slice %arg4[%add3A_189, %dma_wait3A_205] : memref<100000x128xf32, #tpu.memory_space<hbm>> -> memref<128x128xf32, #tpu.memory_space<hbm>>
      %dma_wait3A_207 = arith.constant 0 : i32
      %dma_wait3A_208 = arith.constant 0 : i32
      %dma_wait3A_209 = tpu.memref_slice %arg7[%dma_wait3A_207, %dma_wait3A_208] : memref<128x128xf32, #tpu.memory_space<vmem>> -> memref<128x128xf32, #tpu.memory_space<vmem>>
      tpu.wait_dma2 semaphore(%arg11 : memref<!tpu.dma_semaphore, #tpu.memory_space<semaphore_mem>>) src(%dma_wait3A_209 : memref<128x128xf32, #tpu.memory_space<vmem>>) dst(%dma_wait3A_206 : memref<128x128xf32, #tpu.memory_space<hbm>>)
      %dma_start3A_210 = arith.constant 0 : i32
      %dma_start3A_211 = arith.constant 0 : i32
      %dma_start3A_212 = tpu.memref_slice %arg7[%dma_start3A_210, %dma_start3A_211] : memref<128x128xf32, #tpu.memory_space<vmem>> -> memref<32x128xf32, #tpu.memory_space<vmem>>
      %dma_start3A_213 = arith.constant 768 : i32
      %dma_start3A_214 = tpu.memref_slice %arg5[%dma_start3A_213] : memref<3200xi32, #tpu.memory_space<vmem>> -> memref<32xi32, #tpu.memory_space<vmem>>
      %dma_start3A_215 = arith.constant 0 : i32
      %dma_start3A_216 = arith.constant 0 : i32
      %dma_start3A_217 = tpu.memref_slice %arg6[%dma_start3A_215, %dma_start3A_216] : memref<56x128xf32, #tpu.memory_space<vmem_shared>> -> memref<56x128xf32, #tpu.memory_space<vmem_shared>>
      tpu.enqueue_indirect_dma source(%dma_start3A_217 : memref<56x128xf32, #tpu.memory_space<vmem_shared>>) target(%dma_start3A_212 : memref<32x128xf32, #tpu.memory_space<vmem>>) offsets(%dma_start3A_214 : memref<32xi32, #tpu.memory_space<vmem>>) semaphore(%arg9 : memref<!tpu.dma_semaphore, #tpu.memory_space<semaphore_mem>>)
      %dma_wait3A_218 = arith.constant 0 : i32
      %dma_wait3A_219 = arith.constant 0 : i32
      %dma_wait3A_220 = tpu.memref_slice %arg8[%dma_wait3A_218, %dma_wait3A_219] : memref<128x128xf32, #tpu.memory_space<vmem>> -> memref<128x128xf32, #tpu.memory_space<vmem>>
      %dma_wait3A_221 = arith.constant 640 : i32
      %dma_wait3A_222 = tpu.memref_slice %arg5[%dma_wait3A_221] : memref<3200xi32, #tpu.memory_space<vmem>> -> memref<128xi32, #tpu.memory_space<vmem>>
      %dma_wait3A_223 = arith.constant 0 : i32
      %dma_wait3A_224 = arith.constant 0 : i32
      %dma_wait3A_225 = tpu.memref_slice %arg6[%dma_wait3A_223, %dma_wait3A_224] : memref<56x128xf32, #tpu.memory_space<vmem_shared>> -> memref<56x128xf32, #tpu.memory_space<vmem_shared>>
      tpu.wait_indirect_dma semaphore(%arg10 : memref<!tpu.dma_semaphore, #tpu.memory_space<semaphore_mem>>) src(%dma_wait3A_225 : memref<56x128xf32, #tpu.memory_space<vmem_shared>>) dst(%dma_wait3A_220 : memref<128x128xf32, #tpu.memory_space<vmem>>)
      %add3A_226 = arith.constant 640 : i32
      %add3A_227 = arith.addi %mul3A_2, %add3A_226 : i32
      %dma_start3A_228 = arith.constant 0 : i32
      %dma_start3A_229 = arith.constant 0 : i32
      %dma_start3A_230 = tpu.memref_slice %arg8[%dma_start3A_228, %dma_start3A_229] : memref<128x128xf32, #tpu.memory_space<vmem>> -> memref<128x128xf32, #tpu.memory_space<vmem>>
      %dma_start3A_231 = arith.constant 0 : i32
      %dma_start3A_232 = tpu.memref_slice %arg4[%add3A_227, %dma_start3A_231] : memref<100000x128xf32, #tpu.memory_space<hbm>> -> memref<128x128xf32, #tpu.memory_space<hbm>>
      %dma_start3A_233 = arith.constant 0 : i32
      %dma_start3A_234 = tpu.memref_slice %arg4[%add3A_227, %dma_start3A_233] : memref<100000x128xf32, #tpu.memory_space<hbm>> -> memref<128x128xf32, #tpu.memory_space<hbm>>
      %dma_start3A_235 = arith.constant 0 : i32
      %dma_start3A_236 = arith.constant 0 : i32
      %dma_start3A_237 = tpu.memref_slice %arg8[%dma_start3A_235, %dma_start3A_236] : memref<128x128xf32, #tpu.memory_space<vmem>> -> memref<128x128xf32, #tpu.memory_space<vmem>>
      tpu.enqueue_dma source(%dma_start3A_237 : memref<128x128xf32, #tpu.memory_space<vmem>>) target(%dma_start3A_234 : memref<128x128xf32, #tpu.memory_space<hbm>>) target_semaphore(%arg12 : memref<!tpu.dma_semaphore, #tpu.memory_space<semaphore_mem>>)
      %dma_wait3A_238 = arith.constant 0 : i32
      %dma_wait3A_239 = arith.constant 0 : i32
      %dma_wait3A_240 = tpu.memref_slice %arg7[%dma_wait3A_238, %dma_wait3A_239] : memref<128x128xf32, #tpu.memory_space<vmem>> -> memref<32x128xf32, #tpu.memory_space<vmem>>
      %dma_wait3A_241 = arith.constant 768 : i32
      %dma_wait3A_242 = tpu.memref_slice %arg5[%dma_wait3A_241] : memref<3200xi32, #tpu.memory_space<vmem>> -> memref<32xi32, #tpu.memory_space<vmem>>
      %dma_wait3A_243 = arith.constant 0 : i32
      %dma_wait3A_244 = arith.constant 0 : i32
      %dma_wait3A_245 = tpu.memref_slice %arg6[%dma_wait3A_243, %dma_wait3A_244] : memref<56x128xf32, #tpu.memory_space<vmem_shared>> -> memref<56x128xf32, #tpu.memory_space<vmem_shared>>
      tpu.wait_indirect_dma semaphore(%arg9 : memref<!tpu.dma_semaphore, #tpu.memory_space<semaphore_mem>>) src(%dma_wait3A_245 : memref<56x128xf32, #tpu.memory_space<vmem_shared>>) dst(%dma_wait3A_240 : memref<32x128xf32, #tpu.memory_space<vmem>>)
      %add3A_246 = arith.constant 768 : i32
      %add3A_247 = arith.addi %mul3A_2, %add3A_246 : i32
      %dma_start3A_248 = arith.constant 0 : i32
      %dma_start3A_249 = arith.constant 0 : i32
      %dma_start3A_250 = tpu.memref_slice %arg7[%dma_start3A_248, %dma_start3A_249] : memref<128x128xf32, #tpu.memory_space<vmem>> -> memref<32x128xf32, #tpu.memory_space<vmem>>
      %dma_start3A_251 = arith.constant 0 : i32
      %dma_start3A_252 = tpu.memref_slice %arg4[%add3A_247, %dma_start3A_251] : memref<100000x128xf32, #tpu.memory_space<hbm>> -> memref<32x128xf32, #tpu.memory_space<hbm>>
      %dma_start3A_253 = arith.constant 0 : i32
      %dma_start3A_254 = tpu.memref_slice %arg4[%add3A_247, %dma_start3A_253] : memref<100000x128xf32, #tpu.memory_space<hbm>> -> memref<32x128xf32, #tpu.memory_space<hbm>>
      %dma_start3A_255 = arith.constant 0 : i32
      %dma_start3A_256 = arith.constant 0 : i32
      %dma_start3A_257 = tpu.memref_slice %arg7[%dma_start3A_255, %dma_start3A_256] : memref<128x128xf32, #tpu.memory_space<vmem>> -> memref<32x128xf32, #tpu.memory_space<vmem>>
      tpu.enqueue_dma source(%dma_start3A_257 : memref<32x128xf32, #tpu.memory_space<vmem>>) target(%dma_start3A_254 : memref<32x128xf32, #tpu.memory_space<hbm>>) target_semaphore(%arg11 : memref<!tpu.dma_semaphore, #tpu.memory_space<semaphore_mem>>)
      %dma_wait3A_258 = arith.constant 0 : i32
      %dma_wait3A_259 = arith.constant 0 : i32
      %dma_wait3A_260 = tpu.memref_slice %arg8[%dma_wait3A_258, %dma_wait3A_259] : memref<128x128xf32, #tpu.memory_space<vmem>> -> memref<128x128xf32, #tpu.memory_space<vmem>>
      %dma_wait3A_261 = arith.constant 0 : i32
      %dma_wait3A_262 = tpu.memref_slice %arg4[%add3A_227, %dma_wait3A_261] : memref<100000x128xf32, #tpu.memory_space<hbm>> -> memref<128x128xf32, #tpu.memory_space<hbm>>
      %dma_wait3A_263 = arith.constant 0 : i32
      %dma_wait3A_264 = tpu.memref_slice %arg4[%add3A_227, %dma_wait3A_263] : memref<100000x128xf32, #tpu.memory_space<hbm>> -> memref<128x128xf32, #tpu.memory_space<hbm>>
      %dma_wait3A_265 = arith.constant 0 : i32
      %dma_wait3A_266 = arith.constant 0 : i32
      %dma_wait3A_267 = tpu.memref_slice %arg8[%dma_wait3A_265, %dma_wait3A_266] : memref<128x128xf32, #tpu.memory_space<vmem>> -> memref<128x128xf32, #tpu.memory_space<vmem>>
      tpu.wait_dma2 semaphore(%arg12 : memref<!tpu.dma_semaphore, #tpu.memory_space<semaphore_mem>>) src(%dma_wait3A_267 : memref<128x128xf32, #tpu.memory_space<vmem>>) dst(%dma_wait3A_264 : memref<128x128xf32, #tpu.memory_space<hbm>>)
      %dma_wait3A_268 = arith.constant 0 : i32
      %dma_wait3A_269 = arith.constant 0 : i32
      %dma_wait3A_270 = tpu.memref_slice %arg7[%dma_wait3A_268, %dma_wait3A_269] : memref<128x128xf32, #tpu.memory_space<vmem>> -> memref<32x128xf32, #tpu.memory_space<vmem>>
      %dma_wait3A_271 = arith.constant 0 : i32
      %dma_wait3A_272 = tpu.memref_slice %arg4[%add3A_247, %dma_wait3A_271] : memref<100000x128xf32, #tpu.memory_space<hbm>> -> memref<32x128xf32, #tpu.memory_space<hbm>>
      %dma_wait3A_273 = arith.constant 0 : i32
      %dma_wait3A_274 = tpu.memref_slice %arg4[%add3A_247, %dma_wait3A_273] : memref<100000x128xf32, #tpu.memory_space<hbm>> -> memref<32x128xf32, #tpu.memory_space<hbm>>
      %dma_wait3A_275 = arith.constant 0 : i32
      %dma_wait3A_276 = arith.constant 0 : i32
      %dma_wait3A_277 = tpu.memref_slice %arg7[%dma_wait3A_275, %dma_wait3A_276] : memref<128x128xf32, #tpu.memory_space<vmem>> -> memref<32x128xf32, #tpu.memory_space<vmem>>
      tpu.wait_dma2 semaphore(%arg11 : memref<!tpu.dma_semaphore, #tpu.memory_space<semaphore_mem>>) src(%dma_wait3A_277 : memref<32x128xf32, #tpu.memory_space<vmem>>) dst(%dma_wait3A_274 : memref<32x128xf32, #tpu.memory_space<hbm>>)
    } else {
    }
    return
  }
}

module attributes {stable_mosaic.version = 14 : i64} {
  func.func @_table_body(%arg0: memref<56x20xf32, #tpu.memory_space<vmem>>, %arg1: memref<20x128xf32, #tpu.memory_space<vmem>>, %arg2: memref<56x128xf32, #tpu.memory_space<vmem>>, %arg3: memref<56x128xf32, #tpu.memory_space<vmem>>) attributes {dimension_semantics = [], scalar_prefetch = 0 : i64, scratch_operands = 0 : i64, tpu.core_type = #tpu.core_type<tc>} {
    %get3A = arith.constant 0 : index
    %get3A_0 = arith.constant 0 : index
    %get3A_1 = vector.load %arg0[%get3A, %get3A_0] : memref<56x20xf32, #tpu.memory_space<vmem>>, vector<56x20xf32>
    %get3A_2 = arith.constant 0 : index
    %get3A_3 = arith.constant 0 : index
    %get3A_4 = vector.load %arg1[%get3A_2, %get3A_3] : memref<20x128xf32, #tpu.memory_space<vmem>>, vector<20x128xf32>
    %dot_general3A = arith.constant dense<0.000000e+00> : vector<56x128xf32>
    %dot_general3A_5 = tpu.matmul %get3A_1, %get3A_4, %dot_general3A {dimension_numbers = #tpu.dot_dimension_numbers<[1], [0], [0], [1], [0, 0, 1, 1], [], []>, transpose_lhs_hint = false} : vector<56x20xf32>, vector<20x128xf32>, vector<56x128xf32> -> vector<56x128xf32>
    %get3A_6 = arith.constant 0 : index
    %get3A_7 = arith.constant 0 : index
    %get3A_8 = vector.load %arg2[%get3A_6, %get3A_7] : memref<56x128xf32, #tpu.memory_space<vmem>>, vector<56x128xf32>
    %add3A = arith.addf %dot_general3A_5, %get3A_8 : vector<56x128xf32>
    %swap3A = arith.constant 0 : index
    %swap3A_9 = arith.constant 0 : index
    %swap3A_10 = vector.load %arg3[%swap3A, %swap3A_9] : memref<56x128xf32, #tpu.memory_space<vmem>>, vector<56x128xf32>
    tpu.vector_store %arg3[%swap3A, %swap3A_9], %add3A {strides = array<i32>} : memref<56x128xf32, #tpu.memory_space<vmem>>, vector<56x128xf32>,
    return
  }
}

</mosaic_0001>

<sc_bundles>
// kernel: kernel.4.cloned.1.call-start
scs
__scs_entry_jumppad:
0x0: {  	(pc) =	sbr.rel $0x88, $3  }
0x1: {  	(tag) =	ssettag $0x0;
	lr =	simm.s32 $0x1  }
0x2: {  	[smem:$0x3F9E] =	sst lr;
	_ =	strace $0xD0000000  }
0x3: {  	_ = 	snop  }
0x4: {  	_ = 	snop  }
0x5: {  	_ = 	snop  }
0x6: {  	_ = 	snop  }
0x7: {  	_ = 	snop  }
__scs_overlays_trampoline_lowered:
0x8: {  	[smem:$0x3FAD] =	sst s0  }
0x9: {  	[smem:$0x3FAE] =	sst s1  }
0xa: {  	[smem:$0x3FAF] =	sst s2  }
0xb: {  	[smem:$0x3FB0] =	sst s3  }
0xc: {  	[smem:$0x3FB1] =	sst s4  }
0xd: {  	[smem:$0x3FB2] =	sst s5  }
0xe: {  	[smem:$0x3FB3] =	sst s6  }
0xf: {  	[smem:$0x3FB4] =	sst s7  }
0x10: {  	[smem:$0x3FB5] =	sst s8  }
0x11: {  	[smem:$0x3FB6] =	sst s9;
	s0 =	simm.s32 @!p0 $0x0  }
0x12: {  	s1 =	sld [smem:$0x3F9C];
	s0 =	simm.s32 @p0 $0x1  }
0x13: {  	[smem:$0x3FB7] =	sst s0;
	s0 =	simm.s32 @!p1 $0x0  }
0x14: {  	s2 =	sld [smem:$0x3F9B];
	s0 =	simm.s32 @p1 $0x1  }
0x15: {  	[smem:$0x3FB8] =	sst s0;
	s0 =	simm.s32 @!p2 $0x0  }
0x16: {  	s3 =	sld [smem:$0x3FDB];
	s0 =	simm.s32 @p2 $0x1  }
0x17: {  	s4 =	simm.s32 $0x1BF5;
	[smem:$0x3FBA] =	sst s0  }
0x18: {  	s0 =	sld [smem:$0x3F9D];
	_ =	swait.ge [sflag:s4], $0x0  }
0x19: {  	s7 =	sld [smem:$0x3F9E]  }
0x1a: {  	s8 =	sadd.s32 $0xFFFFE003, lr  }
0x1b: {  	s9 =	sadd.s32 $0xFFFFFEF7, lr;
	s5 =	simm.s32 $0xFFFFFFFF;
	p2 =	slt.u32 s8, $0xFFFFF086  }
0x1c: {  	p1 =	slt.u32 s9, $0xF7A;
	s5 =	simm.s32 @!p2 $0x0  }
0x1d: {  	s5 =	simm.s32 @p1 $0x1;
	p0 =	seq.s32 s7, s2  }
0x1e: {  	s7 =	smul.u32 @!p0 $0xF7A, s2;
	p2 =	seq.s32 @!p0 s5, $0x0  }
0x1f: {  	s9 =	smul.u32 $0xF7A, s1;
	s8 =	simm.s32 @!p0 $0x1BF5;
	p2 =	por !p2, p0  }
0x20: {  	[sflag:s8] =	ssyncset.s32 @!p0 $0xFFFFF086;
	s6 =	sadd.s32 @!p0 s3, s7;
	s7 =	simm.s32 @!p0 $0x108  }
0x21: {  	s3 =	sadd.s32 s3, s9;
	s6 =	sadd.s32 @!p0 $0x88, s6;
	s7 =	simm.s32 @p2 $0x1082  }
0x22: {  	[simem:s7], [sflag:s8] =	dma.local @!p0 [hbm:s6], $0xF7A  }
0x23: {  	s9 =	sor.u32 $0xD0000000, s2;
	s6 =	simm.s32 $0x108;
	_ =	swait.ge @!p0 [sflag:s8], $0x0  }
0x24: {  	s3 =	sadd.s32 $0x88, s3;
	s6 =	simm.s32 @!p1 $0x1082;
	[sflag:s4] =	ssyncset.s32 $0xFFFFF086  }
0x25: {  	[simem:s6], [sflag:s4] =	dma.local [hbm:s3], $0xF7A  }
0x26: {  	[smem:$0x3F9E] =	sst s1;
	(tag) =	ssettag s2;
	_ =	strace s9  }
0x27: {  	s1 =	sld [smem:$0x3FAE]  }
0x28: {  	s2 =	sld [smem:$0x3FAF]  }
0x29: {  	s4 =	sld [smem:$0x3FB1]  }
0x2a: {  	p0 =	seq.s32 s5, $0x0;
	s5 =	sld [smem:$0x3FB2]  }
0x2b: {  	s6 =	sld [smem:$0x3FB3]  }
0x2c: {  	s7 =	sld [smem:$0x3FB4]  }
0x2d: {  	s3 =	simm.s32 $0x108;
	s8 =	sld [smem:$0x3FB5]  }
0x2e: {  	s3 =	simm.s32 @!p0 $0x1082;
	s9 =	sld [smem:$0x3FB6]  }
0x2f: {  	lr =	sadd.s32 s0, s3;
	s0 =	sld [smem:$0x3FAD]  }
0x30: {  	s3 =	sld [smem:$0x3FB0]  }
0x31: {  	[smem:$0x3FB9] =	sst s10  }
0x32: {  	s10 =	sld [smem:$0x3FB7];
	_ =	sdelay $0x3  }
0x33: {  	p0 =	seq.s32 s10, $0x1;
	s10 =	sld [smem:$0x3FB9];
	_ =	sdelay $0x3  }
0x34: {  	[smem:$0x3FB9] =	sst s10  }
0x35: {  	s10 =	sld [smem:$0x3FB8];
	_ =	sdelay $0x3  }
0x36: {  	p1 =	seq.s32 s10, $0x1;
	s10 =	sld [smem:$0x3FB9];
	_ =	sdelay $0x3  }
0x37: {  	[smem:$0x3FB9] =	sst s10  }
0x38: {  	s10 =	sld [smem:$0x3FBA]  }
0x39: {  	_ = 	snop;
	(pc) =	sbr.ind lr, $3  }
0x3a: {  	_ = 	snop  }
0x3b: {  	_ = 	snop  }
0x3c: {  	p2 =	seq.s32 s10, $0x1;
	s10 =	sld [smem:$0x3FB9]  }
0x3d: {  	_ =	shalt  }
0x3e: {  	_ =	shalt  }
0x3f: {  	_ =	shalt  }
0x40: {  	_ =	shalt  }
0x41: {  	_ =	shalt  }
0x42: {  	_ =	shalt  }
0x43: {  	_ =	shalt  }
0x44: {  	_ =	shalt  }
0x45: {  	_ =	shalt  }
0x46: {  	_ =	shalt  }
0x47: {  	_ =	shalt  }
0x48: {  	_ =	shalt  }
0x49: {  	_ =	shalt  }
0x4a: {  	_ =	shalt  }
0x4b: {  	_ =	shalt  }
0x4c: {  	_ =	shalt  }
0x4d: {  	_ =	shalt  }
0x4e: {  	_ =	shalt  }
0x4f: {  	_ =	shalt  }
0x50: {  	_ =	shalt  }
0x51: {  	_ =	shalt  }
0x52: {  	_ =	shalt  }
0x53: {  	_ =	shalt  }
0x54: {  	_ =	shalt  }
0x55: {  	_ =	shalt  }
0x56: {  	_ =	shalt  }
0x57: {  	_ =	shalt  }
0x58: {  	_ =	shalt  }
0x59: {  	_ =	shalt  }
0x5a: {  	_ =	shalt  }
0x5b: {  	_ =	shalt  }
0x5c: {  	_ =	shalt  }
0x5d: {  	_ =	shalt  }
0x5e: {  	_ =	shalt  }
0x5f: {  	_ =	shalt  }
0x60: {  	_ =	shalt  }
0x61: {  	_ =	shalt  }
0x62: {  	_ =	shalt  }
0x63: {  	_ =	shalt  }
0x64: {  	_ =	shalt  }
0x65: {  	_ =	shalt  }
0x66: {  	_ =	shalt  }
0x67: {  	_ =	shalt  }
0x68: {  	_ =	shalt  }
0x69: {  	_ =	shalt  }
0x6a: {  	_ =	shalt  }
0x6b: {  	_ =	shalt  }
0x6c: {  	_ =	shalt  }
0x6d: {  	_ =	shalt  }
0x6e: {  	_ =	shalt  }
0x6f: {  	_ =	shalt  }
0x70: {  	_ =	shalt  }
0x71: {  	_ =	shalt  }
0x72: {  	_ =	shalt  }
0x73: {  	_ =	shalt  }
0x74: {  	_ =	shalt  }
0x75: {  	_ =	shalt  }
0x76: {  	_ =	shalt  }
0x77: {  	_ =	shalt  }
0x78: {  	_ =	shalt  }
0x79: {  	_ =	shalt  }
0x7a: {  	_ =	shalt  }
0x7b: {  	_ =	shalt  }
0x7c: {  	_ =	shalt  }
0x7d: {  	_ =	shalt  }
0x7e: {  	_ =	shalt  }
0x7f: {  	_ =	shalt  }
0x80: {  	_ =	shalt  }
0x81: {  	_ =	shalt  }
0x82: {  	_ =	shalt  }
0x83: {  	_ =	shalt  }
0x84: {  	_ =	shalt  }
0x85: {  	_ =	shalt  }
0x86: {  	_ =	shalt  }
0x87: {  	_ =	shalt  }
.Lfunc_end0:
.L_simem_size_0:
called_computation_lowered:
.L_overlay_start_0:
0x88: {  	s2 =	sld [smem:$0x3FD9]  }
0x89: {  	s3 =	sld [smem:$0x3FFE];
	_ =	sdelay $0x1  }
0x8a: {  	s1 =	srdreg.scid  }
0x8b: {  	s0 =	sand.u32 $0x1, s1  }
0x8c: {  	s17 =	sshll.u32 s0, $0xA;
	s2 =	sadd.s32 s3, s2  }
0x8d: {  	s2 =	sadd.s32 s2, s17  }
0x8e: {  	[smem:$0x3FC5] =	sst s2  }
0x8f: {  	_ = 	snop  }
0x90: {  	s2 =	sld [smem:$0x3FC9]  }
0x91: {  	s18 =	sld [smem:$0x3FD0];
	(tm) =	ssettm $0x1  }
0x92: {  	s4 =	sld [smem:$0x3FFB];
	_ =	sdelay $0x3  }
0x93: {  	_ =	strace s4  }
0x94: {  	s4 =	sld [smem:$0x3FFC];
	_ =	sdelay $0x3  }
0x95: {  	_ =	strace s4  }
0x96: {  	s4 =	sld [smem:$0x3FFD];
	_ =	sdelay $0x3  }
0x97: {  	_ =	strace s4  }
0x98: {  	_ =	strace $0x8FFFFFFF  }
0x99: {  	s19 =	sld [smem:$0x3FDB];
	_ =	sdelay $0x1  }
0x9a: {  	s5 =	simm.s32 $_scs_section_size  }
0x9b: {  	s6 =	simm.s32 $_size__tile_overlayer_lowered;
	s7 =	simm.s32 $_tile_overlayer_lowered  }
0x9c: {  	s22 =	simm.s32 $0x1BFF;
	s21 =	sshll.u32 s7, $0x1;
	s4 =	sadd.s32 s5, s19  }
0x9d: {  	s8 =	simm.s32 $0x0;
	s20 =	sshll.u32 s6, $0x1;
	s6 =	sadd.s32 s21, s4  }
0x9e: {  	[timem:s8], [sflag:s22] =	dma.local [hbm:s6], s20  }
0x9f: {  	_ =	swait.ge [sflag:s22], s20  }
0xa0: {  	s5 =	ssub.s32 $0x0, s20;
	[sflag:s22] =	ssyncset.done $0x0  }
0xa1: {  	[sflag:s22] =	ssyncadd.s32 s5;
	_ =	sdelay $0x1  }
0xa2: {  	s23 =	simm.s32 $0x1B8B  }
0xa3: {  	_ =	swait.ge [sflag:s23], $0x1  }
0xa4: {  	[sflag:s23] =	ssyncset.done $0x0  }
0xa5: {  	s25 =	simm.s32 $0x1B8E;
	s24 =	sld [smem:$0x3FFE];
	[sflag:s23] =	ssyncadd.s32 $0xFFFFFFFF  }
0xa6: {  	s26 =	simm.s32 $execute0_lowered;
	[smem:$0x3FD2] =	sst s25  }
0xa7: {  	s6 =	sshll.u32 s26, $0x1;
	_ =	strace $0x80000046;
	[dreg:$0x1] =	wrdreg $0xFFFFFFFF  }
0xa8: {  	s28 =	simm.s32 $_size_execute0_lowered;
	s4 =	sadd.s32 s4, s6;
	[dreg:$0x0] =	wrdreg $0x0  }
0xa9: {  	s6 =	sshll.u32 s28, $0x1;
	[dreg:$0x2] =	wrdreg s4  }
0xaa: {  	[dreg:$0x3] =	wrdreg s6  }
0xab: {  	[dreg:$0x4] =	wrdreg $0xC0  }
0xac: {  	_ =	task [dreg:s8], $0x5FFFF  }
0xad: {  	[dreg:$0x1] =	wrdreg $0xFFFFFFFF  }
0xae: {  	[dreg:$0x0] =	wrdreg $0x60  }
0xaf: {  	[dreg:$0x2] =	wrdreg s24  }
0xb0: {  	[dreg:$0x3] =	wrdreg s2  }
0xb1: {  	[dreg:$0x4] =	wrdreg s18  }
0xb2: {  	[dreg:$0x5] =	wrdreg $0xC800  }
0xb3: {  	[dreg:$0x6] =	wrdreg $0x9  }
0xb4: {  	_ =	task.clear_ibuf [dreg:s8], $0x7FFFF;
	_ =	strace $0x90000046  }
0xb5: {  	s29 =	simm.s32 $0x9;
	_ =	strace $0x80000048  }
0xb6: {  	_ =	swait.ge [sflag:s29], $0x1  }
0xb7: {  	[sflag:s29] =	ssyncadd.s32 $0xFFFFFFFF  }
0xb8: {  	_ =	strace $0x90000048  }
0xb9: {  	_ =	sfence  }
0xba: {  	s30 =	sld [smem:$0x0];
	_ =	sdelay $0x2  }
0xbb: {  	s31 =	sshll.u32 s1, $0xD;
	s1 =	sshrl.u32 s1, $0x2  }
0xbc: {  	s3 =	sand.u32 $0x4000, s31;
	s1 =	sadd.s32 s1, s30  }
0xbd: {  	s0 =	sor.u32 s3, s0;
	s1 =	sshll.u32 s1, $0x11  }
0xbe: {  	s0 =	sor.u32 s1, s0  }
0xbf: {  	s0 =	sadd.s32 $0x8F2B, s0  }
0xc0: {  	[sflag:s0] =	ssyncadd.remote.s32 $0x1  }
0xc1: {  	_ =	sfence.sel $0xFFFF  }
0xc2: {  	[dreg:$0x0] =	wrdreg $0xFFFFFFFF;
	(pc) =	sbr.abs _section_cstart, $3  }
0xc3: {  	[dreg:$0x1] =	wrdreg $0xFFFFFFFF  }
0xc4: {  	_ =	task.clear_ibuf [dreg:s8], $0x2FFFF;
	_ =	strace $0x9FFFFFFF  }
0xc5: {  	(tm) =	ssettm $0x7FFFFFFF  }
tec
execute0_lowered:
.L_overlay_start_1:
0x0: {  	(tag) =	ssettag $0x1  }
0x1: {  	s2 =	srdreg.scid;
	s5 =	stileid.u32  }
0x2: {  	s3 =	sand.u32 $0x1, s2;
	s6 =	sshll.u32 s5, $0x1  }
0x3: {  	s0 =	rddreg [dreg:$0x0];
	s6 =	sor.u32 s3, s6  }
0x4: {  	s4 =	rddreg [dreg:$0x1];
	s7 =	smul.u32 $0x64000, s6  }
0x5: {  	s9 =	rddreg [dreg:$0x2];
	s2 =	simm.s32 $0x0;
	s10 =	smul.u32 $0x190, s6  }
0x6: {  	[smem:$0x7FF] =	sst s2;
	s12 =	smul.u32 $0xC800, s6  }
0x7: {  	s1 =	rddreg [dreg:$0x3];
	_ =	strace $0x80000047;
	s22 =	sadd.s32 s4, s10  }
0x8: {  	s7 =	sshrl.u32 s7, $0x3;
	s23 =	sadd.s32 s9, s12;
	[dreg:$0x5] =	wrdreg s22  }
0x9: {  	s7 =	sadd.s32 s9, s7;
	[dreg:$0x6] =	wrdreg s23;
	s23 =	sadd.s32 $0x3070, s4  }
0xa: {  	s24 =	sadd.s32 $0x800, s7;
	[dreg:$0x17] =	wrdreg s23  }
0xb: {  	s8 =	ssub.s32 $0x2, s3;
	s25 =	sadd.s32 $0x1000, s7;
	[dreg:$0x7] =	wrdreg s24  }
0xc: {  	s11 =	sshrl.u32 s8, $0x1;
	s26 =	sadd.s32 $0x1800, s7;
	[dreg:$0x8] =	wrdreg s25  }
0xd: {  	s11 =	ssub.s32 s8, s11;
	s8 =	sadd.s32 $0x2000, s7;
	[dreg:$0x9] =	wrdreg s26  }
0xe: {  	s10 =	sadd.s32 $0x2800, s7;
	[dreg:$0xa] =	wrdreg s8  }
0xf: {  	s12 =	sadd.s32 $0x3000, s7;
	[dreg:$0xb] =	wrdreg s10  }
0x10: {  	p0 =	sne.s32 s5, $0x0;
	s13 =	sadd.s32 $0x3800, s7;
	[dreg:$0xc] =	wrdreg s12  }
0x11: {  	s31 =	sadd.s32 $0x183800, s9;
	s14 =	sadd.s32 $0x4000, s7;
	[dreg:$0xd] =	wrdreg s13  }
0x12: {  	s5 =	sadd.s32 $0x184800, s9;
	s15 =	sadd.s32 $0x4800, s7;
	[dreg:$0xe] =	wrdreg s14  }
0x13: {  	s3 =	sadd.s32 $0xC00, s0;
	s16 =	sadd.s32 $0x5000, s7;
	[dreg:$0xf] =	wrdreg s15  }
0x14: {  	s0 =	sadd.s32 $0x184000, s9;
	s17 =	sadd.s32 $0x6000, s7;
	[dreg:$0x10] =	wrdreg s16  }
0x15: {  	p1 =	seq.s32 s6, $0x1F;
	s18 =	sadd.s32 $0x6800, s7;
	[dreg:$0x11] =	wrdreg s17  }
0x16: {  	s6 =	sadd.s32 $0x185800, s9;
	s19 =	sadd.s32 $0x7000, s7;
	[dreg:$0x12] =	wrdreg s18  }
0x17: {  	s20 =	sadd.s32 $0x7800, s7;
	s21 =	sadd.s32 $0x8000, s7;
	[dreg:$0x13] =	wrdreg s19  }
0x18: {  	s22 =	sadd.s32 $0x8800, s7;
	s28 =	sadd.s32 $0xB000, s7;
	[dreg:$0x14] =	wrdreg s20  }
0x19: {  	s29 =	sadd.s32 $0xB800, s7;
	s30 =	sadd.s32 $0xC000, s7;
	[dreg:$0x15] =	wrdreg s21  }
0x1a: {  	s4 =	sadd.s32 $0x5800, s7;
	s23 =	simm.s32 $0x300;
	[dreg:$0x16] =	wrdreg s22  }
0x1b: {  	s24 =	sadd.s32 $0x9000, s7;
	s25 =	sadd.s32 $0x9800, s7;
	s26 =	sadd.s32 $0xA000, s7  }
0x1c: {  	s8 =	sadd.s32 $0x186000, s9;
	s10 =	smax.u32 s11, $0x1;
	s11 =	simm.s32 $0x5  }
0x1d: {  	s12 =	simm.s32 $0x80;
	s13 =	simm.s32 $0xE40;
	s14 =	simm.s32 $0x4E40  }
.Ltmp0:
0x1e: {  	s15 =	simm.s32 $0x1;
	s16 =	simm.s32 $0x3;
	(pc) =	sbr.rel .LBB2_1-.Ltmp0, $4  }
0x1f: {  	s17 =	simm.s32 $0x100;
	s18 =	simm.s32 $0x2;
	[dreg:$0x18] =	wrdreg s24  }
0x20: {  	s19 =	simm.s32 $0x4;
	s20 =	simm.s32 $0x180;
	[dreg:$0x19] =	wrdreg s25  }
0x21: {  	s21 =	simm.s32 $0x200;
	s22 =	simm.s32 $0x280;
	[dreg:$0x1a] =	wrdreg s26  }
0x22: {  	s26 =	sadd.s32 $0xA800, s7;
	s7 =	sadd.s32 $0x185000, s9;
	s9 =	sadd.s32 $0x186800, s9  }
.LBB2_3:
0x23: {  	s24 =	rddreg [dreg:$0x17]  }
0x24: {  	[tilespmem:s2], [sflag:$0x5] =	stream.linear.gather [hbm4b:s24+s2], $0x320, $0x38;
	[tilespmem:$0x8E40] =	vst v63  }
0x25: {  	_ =	swait.ge [sflag:s11], $0x320  }
0x26: {  	[sflag:s11] =	ssyncset.done $0x0  }
0x27: {  	[sflag:s11] =	ssyncadd.s32 $0xFFFFFCE0  }
0x28: {  	[bflag:$0x0] =	sbarrier.arrive $0xFFFF  }
0x29: {  	[tilespmem:s13], [sflag:$0x1] =	stream.indirect.gather [spmem:s1], $0x80, s2, s12, $0xb8;
	[tilespmem:$0x8E40] =	vst v63  }
0x2a: {  	_ = 	snop  }
0x2b: {  	[tilespmem:s14], [sflag:$0x2] =	stream.indirect.gather [spmem:s1], $0x80, s12, s12, $0xb8;
	[tilespmem:$0x8E40] =	vst v63  }
0x2c: {  	_ =	swait.ge [sflag:s15], $0x4000  }
0x2d: {  	[sflag:s15] =	ssyncset.done $0x0  }
0x2e: {  	[sflag:s15] =	ssyncadd.s32 $0xFFFFC000  }
0x2f: {  	[hbm4b:s31+s2] =	stream.linear.scatter [tilespmem:s13], [sflag:$0x3], $0x4000, $0x38;
	[tilespmem:$0x8E40] =	vst v63  }
0x30: {  	_ =	swait.ge [sflag:s16], $0x4000  }
0x31: {  	[sflag:s16] =	ssyncset.done $0x0  }
0x32: {  	[sflag:s16] =	ssyncadd.s32 $0xFFFFC000  }
0x33: {  	[tilespmem:s13], [sflag:$0x1] =	stream.indirect.gather [spmem:s1], $0x80, s17, s12, $0xb8;
	[tilespmem:$0x8E40] =	vst v63  }
0x34: {  	_ =	swait.ge [sflag:s18], $0x4000  }
0x35: {  	[sflag:s18] =	ssyncset.done $0x0  }
0x36: {  	[sflag:s18] =	ssyncadd.s32 $0xFFFFC000  }
0x37: {  	[hbm4b:s0+s2] =	stream.linear.scatter [tilespmem:s14], [sflag:$0x4], $0x4000, $0x38;
	[tilespmem:$0x8E40] =	vst v63  }
0x38: {  	_ =	swait.ge [sflag:s19], $0x4000  }
0x39: {  	[sflag:s19] =	ssyncset.done $0x0  }
0x3a: {  	[sflag:s19] =	ssyncadd.s32 $0xFFFFC000  }
0x3b: {  	[tilespmem:s14], [sflag:$0x2] =	stream.indirect.gather [spmem:s1], $0x80, s20, s12, $0xb8;
	[tilespmem:$0x8E40] =	vst v63  }
0x3c: {  	_ =	swait.ge [sflag:s15], $0x4000  }
0x3d: {  	[sflag:s15] =	ssyncset.done $0x0  }
0x3e: {  	[sflag:s15] =	ssyncadd.s32 $0xFFFFC000  }
0x3f: {  	[hbm4b:s5+s2] =	stream.linear.scatter [tilespmem:s13], [sflag:$0x3], $0x4000, $0x38;
	[tilespmem:$0x8E40] =	vst v63  }
0x40: {  	_ =	swait.ge [sflag:s16], $0x4000  }
0x41: {  	[sflag:s16] =	ssyncset.done $0x0  }
0x42: {  	[sflag:s16] =	ssyncadd.s32 $0xFFFFC000  }
0x43: {  	[tilespmem:s13], [sflag:$0x1] =	stream.indirect.gather [spmem:s1], $0x80, s21, s12, $0xb8;
	[tilespmem:$0x8E40] =	vst v63  }
0x44: {  	_ =	swait.ge [sflag:s18], $0x4000  }
0x45: {  	[sflag:s18] =	ssyncset.done $0x0  }
0x46: {  	[sflag:s18] =	ssyncadd.s32 $0xFFFFC000  }
0x47: {  	[hbm4b:s7+s2] =	stream.linear.scatter [tilespmem:s14], [sflag:$0x4], $0x4000, $0x38;
	[tilespmem:$0x8E40] =	vst v63  }
0x48: {  	_ =	swait.ge [sflag:s19], $0x4000  }
0x49: {  	[sflag:s19] =	ssyncset.done $0x0  }
0x4a: {  	[sflag:s19] =	ssyncadd.s32 $0xFFFFC000  }
0x4b: {  	[tilespmem:s14], [sflag:$0x2] =	stream.indirect.gather [spmem:s1], $0x80, s22, s12, $0xb8;
	[tilespmem:$0x8E40] =	vst v63  }
0x4c: {  	_ =	swait.ge [sflag:s15], $0x4000  }
0x4d: {  	[sflag:s15] =	ssyncset.done $0x0  }
0x4e: {  	[sflag:s15] =	ssyncadd.s32 $0xFFFFC000  }
0x4f: {  	[hbm4b:s6+s2] =	stream.linear.scatter [tilespmem:s13], [sflag:$0x3], $0x4000, $0x38;
	[tilespmem:$0x8E40] =	vst v63  }
0x50: {  	_ =	swait.ge [sflag:s16], $0x4000  }
0x51: {  	[sflag:s16] =	ssyncset.done $0x0  }
0x52: {  	s25 =	simm.s32 $0x20;
	[sflag:s16] =	ssyncadd.s32 $0xFFFFC000  }
0x53: {  	[tilespmem:s13], [sflag:$0x1] =	stream.indirect.gather [spmem:s1], $0x80, s23, s25, $0xb8;
	[tilespmem:$0x8E40] =	vst v63  }
0x54: {  	_ =	swait.ge [sflag:s18], $0x4000  }
0x55: {  	[sflag:s18] =	ssyncset.done $0x0  }
0x56: {  	[sflag:s18] =	ssyncadd.s32 $0xFFFFC000  }
0x57: {  	[hbm4b:s8+s2] =	stream.linear.scatter [tilespmem:s14], [sflag:$0x4], $0x4000, $0x38;
	[tilespmem:$0x8E40] =	vst v63  }
0x58: {  	_ =	swait.ge [sflag:s15], $0x1000  }
0x59: {  	[sflag:s15] =	ssyncset.done $0x0  }
0x5a: {  	[sflag:s15] =	ssyncadd.s32 $0xFFFFF000  }
0x5b: {  	[hbm4b:s9+s2] =	stream.linear.scatter [tilespmem:s13], [sflag:$0x3], $0x1000, $0x38;
	[tilespmem:$0x8E40] =	vst v63  }
0x5c: {  	_ =	swait.ge [sflag:s19], $0x4000  }
0x5d: {  	[sflag:s19] =	ssyncset.done $0x0  }
0x5e: {  	[sflag:s19] =	ssyncadd.s32 $0xFFFFC000  }
0x5f: {  	_ =	swait.ge [sflag:s16], $0x1000  }
0x60: {  	[sflag:s16] =	ssyncset.done $0x0  }
0x61: {  	[sflag:s16] =	ssyncadd.s32 $0xFFFFF000  }
.LBB2_4:
0x62: {  	s10 =	sadd.s32 $0xFFFFFFFF, s10  }
0x63: {  	p2 =	sne.s32 s10, $0x0  }
.Ltmp1:
0x64: {  	_ = 	snop;
	(pc) =	sbr.rel @!p2 .LBB2_5-.Ltmp1, $1  }
0x65: {  	_ =	sdelay $0x3  }
.LBB2_1:
0x66: {  	s24 =	sshrl.u32 @!p0 s1, $0x3;
	s25 =	simm.s32 @!p0 $0x1C05  }
0x67: {  	[spmem:s24], [sflag:s25] =	dma.local @!p0 [hbm:s3], $0x380  }
.Ltmp2:
0x68: {  	_ = 	snop;
	(pc) =	sbr.rel @p1 .LBB2_3-.Ltmp2, $4  }
0x69: {  	s24 =	simm.s32 @!p0 $0x5  }
0x6a: {  	_ =	swait.ge @!p0 [sflag:s24], $0x380  }
0x6b: {  	[sflag:s24] =	ssyncset.done @!p0 $0x0  }
0x6c: {  	[sflag:s24] =	ssyncadd.s32 @!p0 $0xFFFFFC80  }
0x6d: {  	s24 =	rddreg [dreg:$0x5]  }
0x6e: {  	[tilespmem:s2], [sflag:$0x5] =	stream.linear.gather [hbm4b:s24+s2], $0xC80, $0x38;
	[tilespmem:$0x8E40] =	vst v63  }
0x6f: {  	_ =	swait.ge [sflag:s11], $0xC80  }
0x70: {  	[sflag:s11] =	ssyncset.done $0x0  }
0x71: {  	[sflag:s11] =	ssyncadd.s32 $0xFFFFF380  }
0x72: {  	[bflag:$0x0] =	sbarrier.arrive $0xFFFF  }
0x73: {  	[tilespmem:s13], [sflag:$0x1] =	stream.indirect.gather [spmem:s1], $0x80, s2, s12, $0xb8;
	[tilespmem:$0x8E40] =	vst v63  }
0x74: {  	_ = 	snop  }
0x75: {  	[tilespmem:s14], [sflag:$0x2] =	stream.indirect.gather [spmem:s1], $0x80, s12, s12, $0xb8;
	[tilespmem:$0x8E40] =	vst v63  }
0x76: {  	_ =	swait.ge [sflag:s15], $0x4000  }
0x77: {  	[sflag:s15] =	ssyncset.done $0x0  }
0x78: {  	s25 =	rddreg [dreg:$0x6];
	[sflag:s15] =	ssyncadd.s32 $0xFFFFC000  }
0x79: {  	[hbm4b:s25+s2] =	stream.linear.scatter [tilespmem:s13], [sflag:$0x3], $0x4000, $0x38;
	[tilespmem:$0x8E40] =	vst v63  }
0x7a: {  	_ =	swait.ge [sflag:s16], $0x4000  }
0x7b: {  	[sflag:s16] =	ssyncset.done $0x0  }
0x7c: {  	[sflag:s16] =	ssyncadd.s32 $0xFFFFC000  }
0x7d: {  	[tilespmem:s13], [sflag:$0x1] =	stream.indirect.gather [spmem:s1], $0x80, s17, s12, $0xb8;
	[tilespmem:$0x8E40] =	vst v63  }
0x7e: {  	_ =	swait.ge [sflag:s18], $0x4000  }
0x7f: {  	[sflag:s18] =	ssyncset.done $0x0  }
0x80: {  	s25 =	rddreg [dreg:$0x7];
	[sflag:s18] =	ssyncadd.s32 $0xFFFFC000  }
0x81: {  	[hbm4b:s25+s2] =	stream.linear.scatter [tilespmem:s14], [sflag:$0x4], $0x4000, $0x38;
	[tilespmem:$0x8E40] =	vst v63  }
0x82: {  	_ =	swait.ge [sflag:s19], $0x4000  }
0x83: {  	[sflag:s19] =	ssyncset.done $0x0  }
0x84: {  	[sflag:s19] =	ssyncadd.s32 $0xFFFFC000  }
0x85: {  	[tilespmem:s14], [sflag:$0x2] =	stream.indirect.gather [spmem:s1], $0x80, s20, s12, $0xb8;
	[tilespmem:$0x8E40] =	vst v63  }
0x86: {  	_ =	swait.ge [sflag:s15], $0x4000  }
0x87: {  	[sflag:s15] =	ssyncset.done $0x0  }
0x88: {  	s25 =	rddreg [dreg:$0x8];
	[sflag:s15] =	ssyncadd.s32 $0xFFFFC000  }
0x89: {  	[hbm4b:s25+s2] =	stream.linear.scatter [tilespmem:s13], [sflag:$0x3], $0x4000, $0x38;
	[tilespmem:$0x8E40] =	vst v63  }
0x8a: {  	_ =	swait.ge [sflag:s16], $0x4000  }
0x8b: {  	[sflag:s16] =	ssyncset.done $0x0  }
0x8c: {  	[sflag:s16] =	ssyncadd.s32 $0xFFFFC000  }
0x8d: {  	[tilespmem:s13], [sflag:$0x1] =	stream.indirect.gather [spmem:s1], $0x80, s21, s12, $0xb8;
	[tilespmem:$0x8E40] =	vst v63  }
0x8e: {  	_ =	swait.ge [sflag:s18], $0x4000  }
0x8f: {  	[sflag:s18] =	ssyncset.done $0x0  }
0x90: {  	s25 =	rddreg [dreg:$0x9];
	[sflag:s18] =	ssyncadd.s32 $0xFFFFC000  }
0x91: {  	[hbm4b:s25+s2] =	stream.linear.scatter [tilespmem:s14], [sflag:$0x4], $0x4000, $0x38;
	[tilespmem:$0x8E40] =	vst v63  }
0x92: {  	_ =	swait.ge [sflag:s19], $0x4000  }
0x93: {  	[sflag:s19] =	ssyncset.done $0x0  }
0x94: {  	[sflag:s19] =	ssyncadd.s32 $0xFFFFC000  }
0x95: {  	[tilespmem:s14], [sflag:$0x2] =	stream.indirect.gather [spmem:s1], $0x80, s22, s12, $0xb8;
	[tilespmem:$0x8E40] =	vst v63  }
0x96: {  	_ =	swait.ge [sflag:s15], $0x4000  }
0x97: {  	[sflag:s15] =	ssyncset.done $0x0  }
0x98: {  	s25 =	rddreg [dreg:$0xa];
	[sflag:s15] =	ssyncadd.s32 $0xFFFFC000  }
0x99: {  	[hbm4b:s25+s2] =	stream.linear.scatter [tilespmem:s13], [sflag:$0x3], $0x4000, $0x38;
	[tilespmem:$0x8E40] =	vst v63  }
0x9a: {  	_ =	swait.ge [sflag:s16], $0x4000  }
0x9b: {  	[sflag:s16] =	ssyncset.done $0x0  }
0x9c: {  	[sflag:s16] =	ssyncadd.s32 $0xFFFFC000  }
0x9d: {  	[tilespmem:s13], [sflag:$0x1] =	stream.indirect.gather [spmem:s1], $0x80, s23, s12, $0xb8;
	[tilespmem:$0x8E40] =	vst v63  }
0x9e: {  	_ =	swait.ge [sflag:s18], $0x4000  }
0x9f: {  	[sflag:s18] =	ssyncset.done $0x0  }
0xa0: {  	s25 =	rddreg [dreg:$0xb];
	[sflag:s18] =	ssyncadd.s32 $0xFFFFC000  }
0xa1: {  	[hbm4b:s25+s2] =	stream.linear.scatter [tilespmem:s14], [sflag:$0x4], $0x4000, $0x38;
	[tilespmem:$0x8E40] =	vst v63  }
0xa2: {  	_ =	swait.ge [sflag:s19], $0x4000  }
0xa3: {  	[sflag:s19] =	ssyncset.done $0x0  }
0xa4: {  	s25 =	simm.s32 $0x380;
	[sflag:s19] =	ssyncadd.s32 $0xFFFFC000  }
0xa5: {  	[tilespmem:s14], [sflag:$0x2] =	stream.indirect.gather [spmem:s1], $0x80, s25, s12, $0xb8;
	[tilespmem:$0x8E40] =	vst v63  }
0xa6: {  	_ =	swait.ge [sflag:s15], $0x4000  }
0xa7: {  	[sflag:s15] =	ssyncset.done $0x0  }
0xa8: {  	s25 =	rddreg [dreg:$0xc];
	[sflag:s15] =	ssyncadd.s32 $0xFFFFC000  }
0xa9: {  	[hbm4b:s25+s2] =	stream.linear.scatter [tilespmem:s13], [sflag:$0x3], $0x4000, $0x38;
	[tilespmem:$0x8E40] =	vst v63  }
0xaa: {  	_ =	swait.ge [sflag:s16], $0x4000  }
0xab: {  	[sflag:s16] =	ssyncset.done $0x0  }
0xac: {  	s25 =	simm.s32 $0x400;
	[sflag:s16] =	ssyncadd.s32 $0xFFFFC000  }
0xad: {  	[tilespmem:s13], [sflag:$0x1] =	stream.indirect.gather [spmem:s1], $0x80, s25, s12, $0xb8;
	[tilespmem:$0x8E40] =	vst v63  }
0xae: {  	_ =	swait.ge [sflag:s18], $0x4000  }
0xaf: {  	[sflag:s18] =	ssyncset.done $0x0  }
0xb0: {  	s25 =	rddreg [dreg:$0xd];
	[sflag:s18] =	ssyncadd.s32 $0xFFFFC000  }
0xb1: {  	[hbm4b:s25+s2] =	stream.linear.scatter [tilespmem:s14], [sflag:$0x4], $0x4000, $0x38;
	[tilespmem:$0x8E40] =	vst v63  }
0xb2: {  	_ =	swait.ge [sflag:s19], $0x4000  }
0xb3: {  	[sflag:s19] =	ssyncset.done $0x0  }
0xb4: {  	s25 =	simm.s32 $0x480;
	[sflag:s19] =	ssyncadd.s32 $0xFFFFC000  }
0xb5: {  	[tilespmem:s14], [sflag:$0x2] =	stream.indirect.gather [spmem:s1], $0x80, s25, s12, $0xb8;
	[tilespmem:$0x8E40] =	vst v63  }
0xb6: {  	_ =	swait.ge [sflag:s15], $0x4000  }
0xb7: {  	[sflag:s15] =	ssyncset.done $0x0  }
0xb8: {  	s25 =	rddreg [dreg:$0xe];
	[sflag:s15] =	ssyncadd.s32 $0xFFFFC000  }
0xb9: {  	[hbm4b:s25+s2] =	stream.linear.scatter [tilespmem:s13], [sflag:$0x3], $0x4000, $0x38;
	[tilespmem:$0x8E40] =	vst v63  }
0xba: {  	_ =	swait.ge [sflag:s16], $0x4000  }
0xbb: {  	[sflag:s16] =	ssyncset.done $0x0  }
0xbc: {  	s25 =	simm.s32 $0x500;
	[sflag:s16] =	ssyncadd.s32 $0xFFFFC000  }
0xbd: {  	[tilespmem:s13], [sflag:$0x1] =	stream.indirect.gather [spmem:s1], $0x80, s25, s12, $0xb8;
	[tilespmem:$0x8E40] =	vst v63  }
0xbe: {  	_ =	swait.ge [sflag:s18], $0x4000  }
0xbf: {  	[sflag:s18] =	ssyncset.done $0x0  }
0xc0: {  	s25 =	rddreg [dreg:$0xf];
	[sflag:s18] =	ssyncadd.s32 $0xFFFFC000  }
0xc1: {  	[hbm4b:s25+s2] =	stream.linear.scatter [tilespmem:s14], [sflag:$0x4], $0x4000, $0x38;
	[tilespmem:$0x8E40] =	vst v63  }
0xc2: {  	_ =	swait.ge [sflag:s19], $0x4000  }
0xc3: {  	[sflag:s19] =	ssyncset.done $0x0  }
0xc4: {  	s25 =	simm.s32 $0x580;
	[sflag:s19] =	ssyncadd.s32 $0xFFFFC000  }
0xc5: {  	[tilespmem:s14], [sflag:$0x2] =	stream.indirect.gather [spmem:s1], $0x80, s25, s12, $0xb8;
	[tilespmem:$0x8E40] =	vst v63  }
0xc6: {  	_ =	swait.ge [sflag:s15], $0x4000  }
0xc7: {  	[sflag:s15] =	ssyncset.done $0x0  }
0xc8: {  	s25 =	rddreg [dreg:$0x10];
	[sflag:s15] =	ssyncadd.s32 $0xFFFFC000  }
0xc9: {  	[hbm4b:s25+s2] =	stream.linear.scatter [tilespmem:s13], [sflag:$0x3], $0x4000, $0x38;
	[tilespmem:$0x8E40] =	vst v63  }
0xca: {  	_ =	swait.ge [sflag:s16], $0x4000  }
0xcb: {  	[sflag:s16] =	ssyncset.done $0x0  }
0xcc: {  	s25 =	simm.s32 $0x600;
	[sflag:s16] =	ssyncadd.s32 $0xFFFFC000  }
0xcd: {  	[tilespmem:s13], [sflag:$0x1] =	stream.indirect.gather [spmem:s1], $0x80, s25, s12, $0xb8;
	[tilespmem:$0x8E40] =	vst v63  }
0xce: {  	_ =	swait.ge [sflag:s18], $0x4000  }
0xcf: {  	[sflag:s18] =	ssyncset.done $0x0  }
0xd0: {  	[sflag:s18] =	ssyncadd.s32 $0xFFFFC000  }
0xd1: {  	[hbm4b:s4+s2] =	stream.linear.scatter [tilespmem:s14], [sflag:$0x4], $0x4000, $0x38;
	[tilespmem:$0x8E40] =	vst v63  }
0xd2: {  	_ =	swait.ge [sflag:s19], $0x4000  }
0xd3: {  	[sflag:s19] =	ssyncset.done $0x0  }
0xd4: {  	s25 =	simm.s32 $0x680;
	[sflag:s19] =	ssyncadd.s32 $0xFFFFC000  }
0xd5: {  	[tilespmem:s14], [sflag:$0x2] =	stream.indirect.gather [spmem:s1], $0x80, s25, s12, $0xb8;
	[tilespmem:$0x8E40] =	vst v63  }
0xd6: {  	_ =	swait.ge [sflag:s15], $0x4000  }
0xd7: {  	[sflag:s15] =	ssyncset.done $0x0  }
0xd8: {  	s25 =	rddreg [dreg:$0x11];
	[sflag:s15] =	ssyncadd.s32 $0xFFFFC000  }
0xd9: {  	[hbm4b:s25+s2] =	stream.linear.scatter [tilespmem:s13], [sflag:$0x3], $0x4000, $0x38;
	[tilespmem:$0x8E40] =	vst v63  }
0xda: {  	_ =	swait.ge [sflag:s16], $0x4000  }
0xdb: {  	[sflag:s16] =	ssyncset.done $0x0  }
0xdc: {  	s25 =	simm.s32 $0x700;
	[sflag:s16] =	ssyncadd.s32 $0xFFFFC000  }
0xdd: {  	[tilespmem:s13], [sflag:$0x1] =	stream.indirect.gather [spmem:s1], $0x80, s25, s12, $0xb8;
	[tilespmem:$0x8E40] =	vst v63  }
0xde: {  	_ =	swait.ge [sflag:s18], $0x4000  }
0xdf: {  	[sflag:s18] =	ssyncset.done $0x0  }
0xe0: {  	s25 =	rddreg [dreg:$0x12];
	[sflag:s18] =	ssyncadd.s32 $0xFFFFC000  }
0xe1: {  	[hbm4b:s25+s2] =	stream.linear.scatter [tilespmem:s14], [sflag:$0x4], $0x4000, $0x38;
	[tilespmem:$0x8E40] =	vst v63  }
0xe2: {  	_ =	swait.ge [sflag:s19], $0x4000  }
0xe3: {  	[sflag:s19] =	ssyncset.done $0x0  }
0xe4: {  	s25 =	simm.s32 $0x780;
	[sflag:s19] =	ssyncadd.s32 $0xFFFFC000  }
0xe5: {  	[tilespmem:s14], [sflag:$0x2] =	stream.indirect.gather [spmem:s1], $0x80, s25, s12, $0xb8;
	[tilespmem:$0x8E40] =	vst v63  }
0xe6: {  	_ =	swait.ge [sflag:s15], $0x4000  }
0xe7: {  	[sflag:s15] =	ssyncset.done $0x0  }
0xe8: {  	s25 =	rddreg [dreg:$0x13];
	[sflag:s15] =	ssyncadd.s32 $0xFFFFC000  }
0xe9: {  	[hbm4b:s25+s2] =	stream.linear.scatter [tilespmem:s13], [sflag:$0x3], $0x4000, $0x38;
	[tilespmem:$0x8E40] =	vst v63  }
0xea: {  	_ =	swait.ge [sflag:s16], $0x4000  }
0xeb: {  	[sflag:s16] =	ssyncset.done $0x0  }
0xec: {  	s25 =	simm.s32 $0x800;
	[sflag:s16] =	ssyncadd.s32 $0xFFFFC000  }
0xed: {  	[tilespmem:s13], [sflag:$0x1] =	stream.indirect.gather [spmem:s1], $0x80, s25, s12, $0xb8;
	[tilespmem:$0x8E40] =	vst v63  }
0xee: {  	_ =	swait.ge [sflag:s18], $0x4000  }
0xef: {  	[sflag:s18] =	ssyncset.done $0x0  }
0xf0: {  	s25 =	rddreg [dreg:$0x14];
	[sflag:s18] =	ssyncadd.s32 $0xFFFFC000  }
0xf1: {  	[hbm4b:s25+s2] =	stream.linear.scatter [tilespmem:s14], [sflag:$0x4], $0x4000, $0x38;
	[tilespmem:$0x8E40] =	vst v63  }
0xf2: {  	_ =	swait.ge [sflag:s19], $0x4000  }
0xf3: {  	[sflag:s19] =	ssyncset.done $0x0  }
0xf4: {  	s25 =	simm.s32 $0x880;
	[sflag:s19] =	ssyncadd.s32 $0xFFFFC000  }
0xf5: {  	[tilespmem:s14], [sflag:$0x2] =	stream.indirect.gather [spmem:s1], $0x80, s25, s12, $0xb8;
	[tilespmem:$0x8E40] =	vst v63  }
0xf6: {  	_ =	swait.ge [sflag:s15], $0x4000  }
0xf7: {  	[sflag:s15] =	ssyncset.done $0x0  }
0xf8: {  	s25 =	rddreg [dreg:$0x15];
	[sflag:s15] =	ssyncadd.s32 $0xFFFFC000  }
0xf9: {  	[hbm4b:s25+s2] =	stream.linear.scatter [tilespmem:s13], [sflag:$0x3], $0x4000, $0x38;
	[tilespmem:$0x8E40] =	vst v63  }
0xfa: {  	_ =	swait.ge [sflag:s16], $0x4000  }
0xfb: {  	[sflag:s16] =	ssyncset.done $0x0  }
0xfc: {  	s25 =	simm.s32 $0x900;
	[sflag:s16] =	ssyncadd.s32 $0xFFFFC000  }
0xfd: {  	[tilespmem:s13], [sflag:$0x1] =	stream.indirect.gather [spmem:s1], $0x80, s25, s12, $0xb8;
	[tilespmem:$0x8E40] =	vst v63  }
0xfe: {  	_ =	swait.ge [sflag:s18], $0x4000  }
0xff: {  	[sflag:s18] =	ssyncset.done $0x0  }
0x100: {  	s25 =	rddreg [dreg:$0x16];
	[sflag:s18] =	ssyncadd.s32 $0xFFFFC000  }
0x101: {  	[hbm4b:s25+s2] =	stream.linear.scatter [tilespmem:s14], [sflag:$0x4], $0x4000, $0x38;
	[tilespmem:$0x8E40] =	vst v63  }
0x102: {  	_ =	swait.ge [sflag:s19], $0x4000  }
0x103: {  	[sflag:s19] =	ssyncset.done $0x0  }
0x104: {  	s25 =	simm.s32 $0x980;
	[sflag:s19] =	ssyncadd.s32 $0xFFFFC000  }
0x105: {  	[tilespmem:s14], [sflag:$0x2] =	stream.indirect.gather [spmem:s1], $0x80, s25, s12, $0xb8;
	[tilespmem:$0x8E40] =	vst v63  }
0x106: {  	_ =	swait.ge [sflag:s15], $0x4000  }
0x107: {  	[sflag:s15] =	ssyncset.done $0x0  }
0x108: {  	s25 =	rddreg [dreg:$0x18];
	[sflag:s15] =	ssyncadd.s32 $0xFFFFC000  }
0x109: {  	[hbm4b:s25+s2] =	stream.linear.scatter [tilespmem:s13], [sflag:$0x3], $0x4000, $0x38;
	[tilespmem:$0x8E40] =	vst v63  }
0x10a: {  	_ =	swait.ge [sflag:s16], $0x4000  }
0x10b: {  	[sflag:s16] =	ssyncset.done $0x0  }
0x10c: {  	s25 =	simm.s32 $0xA00;
	[sflag:s16] =	ssyncadd.s32 $0xFFFFC000  }
0x10d: {  	[tilespmem:s13], [sflag:$0x1] =	stream.indirect.gather [spmem:s1], $0x80, s25, s12, $0xb8;
	[tilespmem:$0x8E40] =	vst v63  }
0x10e: {  	_ =	swait.ge [sflag:s18], $0x4000  }
0x10f: {  	[sflag:s18] =	ssyncset.done $0x0  }
0x110: {  	s25 =	rddreg [dreg:$0x19];
	[sflag:s18] =	ssyncadd.s32 $0xFFFFC000  }
0x111: {  	[hbm4b:s25+s2] =	stream.linear.scatter [tilespmem:s14], [sflag:$0x4], $0x4000, $0x38;
	[tilespmem:$0x8E40] =	vst v63  }
0x112: {  	_ =	swait.ge [sflag:s19], $0x4000  }
0x113: {  	[sflag:s19] =	ssyncset.done $0x0  }
0x114: {  	s25 =	simm.s32 $0xA80;
	[sflag:s19] =	ssyncadd.s32 $0xFFFFC000  }
0x115: {  	[tilespmem:s14], [sflag:$0x2] =	stream.indirect.gather [spmem:s1], $0x80, s25, s12, $0xb8;
	[tilespmem:$0x8E40] =	vst v63  }
0x116: {  	_ =	swait.ge [sflag:s15], $0x4000  }
0x117: {  	[sflag:s15] =	ssyncset.done $0x0  }
0x118: {  	s25 =	rddreg [dreg:$0x1a];
	[sflag:s15] =	ssyncadd.s32 $0xFFFFC000  }
0x119: {  	[hbm4b:s25+s2] =	stream.linear.scatter [tilespmem:s13], [sflag:$0x3], $0x4000, $0x38;
	[tilespmem:$0x8E40] =	vst v63  }
0x11a: {  	_ =	swait.ge [sflag:s16], $0x4000  }
0x11b: {  	[sflag:s16] =	ssyncset.done $0x0  }
0x11c: {  	s25 =	simm.s32 $0xB00;
	[sflag:s16] =	ssyncadd.s32 $0xFFFFC000  }
0x11d: {  	[tilespmem:s13], [sflag:$0x1] =	stream.indirect.gather [spmem:s1], $0x80, s25, s12, $0xb8;
	[tilespmem:$0x8E40] =	vst v63  }
0x11e: {  	_ =	swait.ge [sflag:s18], $0x4000  }
0x11f: {  	[sflag:s18] =	ssyncset.done $0x0  }
0x120: {  	[sflag:s18] =	ssyncadd.s32 $0xFFFFC000  }
0x121: {  	[hbm4b:s26+s2] =	stream.linear.scatter [tilespmem:s14], [sflag:$0x4], $0x4000, $0x38;
	[tilespmem:$0x8E40] =	vst v63  }
0x122: {  	_ =	swait.ge [sflag:s19], $0x4000  }
0x123: {  	[sflag:s19] =	ssyncset.done $0x0  }
0x124: {  	s25 =	simm.s32 $0xB80;
	[sflag:s19] =	ssyncadd.s32 $0xFFFFC000  }
0x125: {  	[tilespmem:s14], [sflag:$0x2] =	stream.indirect.gather [spmem:s1], $0x80, s25, s12, $0xb8;
	[tilespmem:$0x8E40] =	vst v63  }
0x126: {  	_ =	swait.ge [sflag:s15], $0x4000  }
0x127: {  	[sflag:s15] =	ssyncset.done $0x0  }
0x128: {  	[sflag:s15] =	ssyncadd.s32 $0xFFFFC000  }
0x129: {  	[hbm4b:s28+s2] =	stream.linear.scatter [tilespmem:s13], [sflag:$0x3], $0x4000, $0x38;
	[tilespmem:$0x8E40] =	vst v63  }
0x12a: {  	_ =	swait.ge [sflag:s16], $0x4000  }
0x12b: {  	[sflag:s16] =	ssyncset.done $0x0  }
0x12c: {  	s25 =	simm.s32 $0xC00;
	[sflag:s16] =	ssyncadd.s32 $0xFFFFC000  }
0x12d: {  	[tilespmem:s13], [sflag:$0x1] =	stream.indirect.gather [spmem:s1], $0x80, s25, s12, $0xb8;
	[tilespmem:$0x8E40] =	vst v63  }
0x12e: {  	_ =	swait.ge [sflag:s18], $0x4000  }
0x12f: {  	[sflag:s18] =	ssyncset.done $0x0  }
0x130: {  	[sflag:s18] =	ssyncadd.s32 $0xFFFFC000  }
0x131: {  	[hbm4b:s29+s2] =	stream.linear.scatter [tilespmem:s14], [sflag:$0x4], $0x4000, $0x38;
	[tilespmem:$0x8E40] =	vst v63  }
0x132: {  	_ =	swait.ge [sflag:s15], $0x4000  }
0x133: {  	[sflag:s15] =	ssyncset.done $0x0  }
0x134: {  	[sflag:s15] =	ssyncadd.s32 $0xFFFFC000  }
0x135: {  	[hbm4b:s30+s2] =	stream.linear.scatter [tilespmem:s13], [sflag:$0x3], $0x4000, $0x38;
	[tilespmem:$0x8E40] =	vst v63  }
0x136: {  	_ =	swait.ge [sflag:s19], $0x4000  }
.Ltmp3:
0x137: {  	[sflag:s19] =	ssyncset.done $0x0;
	(pc) =	sbr.rel .LBB2_4-.Ltmp3, $4  }
0x138: {  	[sflag:s19] =	ssyncadd.s32 $0xFFFFC000  }
0x139: {  	_ =	swait.ge [sflag:s16], $0x4000  }
0x13a: {  	[sflag:s16] =	ssyncset.done $0x0  }
0x13b: {  	[sflag:s16] =	ssyncadd.s32 $0xFFFFC000  }
.LBB2_5:
0x13c: {  	_ =	sfence.sel $0x180000  }
0x13d: {  	[bflag:$0x0] =	sbarrier.arrive $0xFFFF  }
0x13e: {  	_ =	strace $0x90000047  }
0x13f: {  	[bflag:$0x2] =	sbarrier.arrive $0xFFFF  }
0x140: {  	s0 =	rddreg [dreg:$0x4]  }
0x141: {  	s0 =	sadd.s32 @!p0 $0x100000, s0  }
0x142: {  	[sflag:s0] =	ssyncadd.tile.s32 @!p0 $0x1;
	_ =	shalt  }
.Lfunc_end2:
_tile_overlayer_lowered:
.L_overlay_start_2:
0x143: {  	(tag) =	ssettag $0x2  }
0x144: {  	s0 =	rddreg [dreg:$0x0];
	s2 =	stileid.u32  }
0x145: {  	s1 =	rddreg [dreg:$0x1];
	p0 =	sne.s32 s2, $0x0  }
0x146: {  	s3 =	rddreg [dreg:$0x2];
	[bflag:$0x3] =	sbarrier.arrive $0xFFFF;
	s2 =	simm.s32 @!p0 $0x1C05  }
0x147: {  	[timem:s3], [sflag:s2] =	dma.local @!p0 [hbm:s0], s1  }
0x148: {  	s0 =	simm.s32 @!p0 $0x5  }
0x149: {  	_ =	swait.ge @!p0 [sflag:s0], s1  }
0x14a: {  	s1 =	ssub.s32 @!p0 $0x0, s1;
	[sflag:s0] =	ssyncset.done @!p0 $0x0  }
0x14b: {  	[sflag:s0] =	ssyncadd.s32 @!p0 s1  }
0x14c: {  	[bflag:$0x3] =	sbarrier.arrive $0xFFFF  }
0x14d: {  	_ =	shalt  }

</sc_bundles>
